<compile_context>
chip_gen: v7x
topology: tpu7x:2x2x1
jax: 0.10.2.dev20260603
libtpu: 0.0.44.dev20260713+nightly
codegen_flags: <defaults>
</compile_context>

<pallas_src>
import functools

import jax
import jax.numpy as jnp
from jax import lax
from jax.experimental import pallas as pl
from jax.experimental.pallas import tpu as pltpu
from jax.experimental.pallas import tpu_sc as plsc

N_V = 10000
N_E = 5000
NNZ = 320000
D = 128

NC = 2
NS = 16
NW = NC * NS
K = 128
C = 112
C1 = 46
NNZ_PAD = NS * (C + C1) * K
E_ACC = 5120
V_ACC = 10240


def _sc_segment_sum(table, gidx, sidx, acc_rows):

    mesh = plsc.VectorSubcoreMesh(core_axis_name="c", subcore_axis_name="s")
    rows_per_tile = acc_rows // NS

    @functools.partial(
        pl.kernel,
        mesh=mesh,
        out_type=jax.ShapeDtypeStruct((NC, acc_rows, D), jnp.float32),
        scratch_types=[
            pltpu.VMEM((C, K), jnp.int32),
            pltpu.VMEM((C, K), jnp.int32),
            pltpu.VMEM((K, D), jnp.float32),
            pltpu.VMEM((32, D), jnp.float32),
            pltpu.VMEM_SHARED((acc_rows, D), jnp.float32),
            pltpu.SemaphoreType.DMA,
        ],
    )
    def body(table_h, gidx_h, sidx_h, out_h, gidx_v, sidx_v, rows_v, zbuf,
             acc, sem):
        c = lax.axis_index("c")
        s = lax.axis_index("s")
        wid = s * NC + c
        start = s * rows_per_tile

        def zrow(i, _):
            def zlane(j, _):
                zbuf[i, pl.ds(j * 16, 16)] = jnp.zeros((16,), jnp.float32)
                return 0
            lax.fori_loop(0, D // 16, zlane, 0)
            return 0
        lax.fori_loop(0, 32, zrow, 0)

        def zcopy(i, _):
            pltpu.sync_copy(zbuf, acc.at[pl.ds(start + i * 32, 32)])
            return 0
        lax.fori_loop(0, rows_per_tile // 32, zcopy, 0)

        plsc.subcore_barrier()

        pltpu.sync_copy(gidx_h.at[wid], gidx_v)
        pltpu.sync_copy(sidx_h.at[wid], sidx_v)

        def chunk(j, _):
            pltpu.async_copy(table_h.at[gidx_v.at[j]], rows_v, sem).wait()
            pltpu.sync_copy(rows_v, acc.at[sidx_v.at[j]], add=True)
            return 0

        @pl.when(c == 1)
        def _big_share():
            lax.fori_loop(0, C, chunk, 0)

        @pl.when(c == 0)
        def _small_share():
            lax.fori_loop(0, C1, chunk, 0)

        plsc.subcore_barrier()

        pltpu.sync_copy(acc.at[pl.ds(start, rows_per_tile)],
                        out_h.at[c, pl.ds(start, rows_per_tile)])

    return body(table, gidx, sidx)


def _tc_matmul(X, wT):
    n = X.shape[0]
    blk = 1000

    def mm(x_ref, w_ref, o_ref):
        o_ref[...] = jnp.dot(x_ref[...], w_ref[...],
                             preferred_element_type=jnp.float32)

    return pl.pallas_call(
        mm,
        grid=(n // blk,),
        in_specs=[
            pl.BlockSpec((blk, D), lambda i: (i, 0)),
            pl.BlockSpec((D, D), lambda i: (0, 0)),
        ],
        out_specs=pl.BlockSpec((blk, D), lambda i: (i, 0)),
        out_shape=jax.ShapeDtypeStruct((n, D), jnp.float32),
    )(X, wT)


def _tc_combine_scale(p0, p1, scales):
    n = p0.shape[0]
    blk = 1000

    def f(a_ref, b_ref, *rest):
        s_refs, o_ref = rest[:-1], rest[-1]
        acc = a_ref[...] + b_ref[...]
        for s_ref in s_refs:
            acc = acc * s_ref[...]
        o_ref[...] = acc

    return pl.pallas_call(
        f,
        grid=(n // blk,),
        in_specs=[pl.BlockSpec((blk, D), lambda i: (i, 0)),
                  pl.BlockSpec((blk, D), lambda i: (i, 0))] +
                 [pl.BlockSpec((blk, 1), lambda i: (i, 0))] * len(scales),
        out_specs=pl.BlockSpec((blk, D), lambda i: (i, 0)),
        out_shape=jax.ShapeDtypeStruct((n, D), jnp.float32),
    )(p0, p1, *scales)


def _make_idx(src, fill):
    pad = NNZ_PAD - NNZ
    a = jnp.concatenate([src, jnp.full((pad,), fill, jnp.int32)])
    nfast = NS * C * K
    fast = a[:nfast].reshape(NS, C, K)
    slow = jnp.pad(a[nfast:].reshape(NS, C1, K),
                   ((0, 0), (0, C - C1), (0, 0)), constant_values=fill)
    return jnp.stack([slow, fast], axis=1).reshape(NW, C, K)


@jax.jit
def kernel(X, vertex, edges, degE, degV, W_edge, lin_w):
    g1 = _make_idx(vertex, 0)
    s1 = _make_idx(edges, N_E)
    g2 = _make_idx(edges, 0)
    s2 = _make_idx(vertex, N_V)

    Xl = _tc_matmul(X, lin_w.T)
    pe = _sc_segment_sum(Xl, g1, s1, E_ACC)
    Xe = _tc_combine_scale(pe[0, :N_E], pe[1, :N_E], [degE, W_edge])
    pv = _sc_segment_sum(Xe, g2, s2, V_ACC)
    Xv = _tc_combine_scale(pv[0, :N_V], pv[1, :N_V], [degV])
    return Xv

# --- scband reference (transcript-rebuilt; emitter-appended) ---
"""Pipeline reference for scband-py-ghgnnconv-55602646614711 (READ-ONLY COPY).

The authoritative reference and input builder live on the scoring server;
editing this copy changes nothing except your own understanding.
"""

import jax, jax.numpy as jnp
import numpy as np

N = 10000
E = 5000
NNZ = 320000
IN = 128
HEADS = 8
OUT = 16
HID = HEADS * OUT


def setup_inputs(seed: int = 0) -> dict:
    key = jax.random.key(seed)
    k1, k2, k3, k4, k5, k6 = jax.random.split(key, 6)
    X = jax.random.normal(k1, (N, IN), dtype=jnp.float32)
    vertex = jax.random.randint(k2, (NNZ,), 0, N, dtype=jnp.int32)
    edges = jax.random.randint(k3, (NNZ,), 0, E, dtype=jnp.int32)
    # hyperg.degE / hyperg.degV : positive degree-normalization vectors
    degE = jax.random.uniform(k4, (E, 1), dtype=jnp.float32, minval=0.05, maxval=1.0)
    degV = jax.random.uniform(k5, (N, 1), dtype=jnp.float32, minval=0.05, maxval=1.0)
    # self.W initialized to ones in the module
    W_edge = jnp.ones((E, 1), dtype=jnp.float32)
    # nn.Linear(in_channels, heads*out_channels, bias=False) weight: [HID, IN]
    lin_w = jax.random.normal(k6, (HID, IN), dtype=jnp.float32) * (1.0 / np.sqrt(IN))
    return {
        "X": X,
        "vertex": vertex,
        "edges": edges,
        "degE": degE,
        "degV": degV,
        "W_edge": W_edge,
        "lin_w": lin_w,
    }


def reference(X, vertex, edges, degE, degV, W_edge, lin_w):
    # X = self.linear(X)
    Xl = X @ lin_w.T
    # Xve = X[vertex]
    Xve = jnp.take(Xl, vertex, axis=0)
    # Xe = scatter(Xve, edges, reduce='sum')
    Xe = jax.ops.segment_sum(Xve, edges, num_segments=E)
    Xe = Xe * degE
    Xe = Xe * W_edge
    # Xev = Xe[edges]
    Xev = jnp.take(Xe, edges, axis=0)
    # Xv = scatter(Xev, vertex, reduce='sum', dim_size=N)
    Xv = jax.ops.segment_sum(Xev, vertex, num_segments=N)
    Xv = Xv * degV
    return Xv

if __name__ == "__main__":
    import jax
    _d = setup_inputs()
    print(jax.jit(kernel)(*tuple(_d.values())))

</pallas_src>

<mosaic_0001>
#map = affine_map<(d0, d1) -> (0, 0)>
#map1 = affine_map<(d0, d1) -> (0, 0, 0)>
module attributes {stable_mosaic.version = 14 : i64} {
  func.func @body(%arg0: i32, %arg1: i32, %arg2: memref<10000x128xf32, #tpu.memory_space<hbm>>, %arg3: memref<32x112x128xi32, #tpu.memory_space<hbm>>, %arg4: memref<32x112x128xi32, #tpu.memory_space<hbm>>, %arg5: memref<2x5120x128xf32, #tpu.memory_space<hbm>>, %arg6: memref<112x128xi32, #tpu.memory_space<vmem>>, %arg7: memref<112x128xi32, #tpu.memory_space<vmem>>, %arg8: memref<128x128xf32, #tpu.memory_space<vmem>>, %arg9: memref<32x128xf32, #tpu.memory_space<vmem>>, %arg10: memref<5120x128xf32, #tpu.memory_space<vmem_shared>>, %arg11: memref<!tpu.dma_semaphore, #tpu.memory_space<semaphore_mem>>) attributes {dimension_semantics = [#tpu.dimension_semantics<core_parallel>, #tpu.dimension_semantics<subcore_parallel>], iteration_bounds = array<i64: 2, 16>, scalar_prefetch = 0 : i64, scratch_operands = 6 : i64, tpu.core_type = #tpu.core_type<sc_vector_subcore>, window_params = [{transform_indices = #map}, {transform_indices = #map1}, {transform_indices = #map1}, {transform_indices = #map1}]} {
    %mul3A = arith.constant 2 : i32
    %mul3A_0 = arith.muli %arg1, %mul3A : i32
    %add3A = arith.addi %mul3A_0, %arg0 : i32
    %mul3A_1 = arith.constant 320 : i32
    %mul3A_2 = arith.muli %arg1, %mul3A_1 : i32
    %scan3A = arith.constant 0 : i32
    %scan3A_3 = arith.constant 0 : i32
    %scan3A_4 = arith.constant 32 : i32
    %scan3A_5 = arith.addi %scan3A_3, %scan3A_4 : i32
    %scan3A_6 = arith.constant 1 : i32
    %scan3A_7 = scf.for %scan3A_24 = %scan3A_3 to %scan3A_5 step %scan3A_6 iter_args(%scan3A_25 = %scan3A) -> (i32)  : i32 {
      %scan3A_26 = arith.constant 0 : i32
      %scan3A_27 = arith.constant 0 : i32
      %scan3A_28 = arith.constant 8 : i32
      %scan3A_29 = arith.addi %scan3A_27, %scan3A_28 : i32
      %scan3A_30 = arith.constant 1 : i32
      %scan3A_31 = scf.for %scan3A_34 = %scan3A_27 to %scan3A_29 step %scan3A_30 iter_args(%scan3A_35 = %scan3A_26) -> (i32)  : i32 {
        %broadcast_in_dim3A = arith.constant 0.000000e+00 : f32
        %broadcast_in_dim3A_36 = vector.broadcast %broadcast_in_dim3A : f32 to vector<16xf32>
        %mul3A_37 = arith.constant 16 : i32
        %mul3A_38 = arith.muli %scan3A_34, %mul3A_37 : i32
        %swap3A = arith.index_cast %scan3A_24 : i32 to index
        %swap3A_39 = arith.index_cast %mul3A_38 : i32 to index
        %swap3A_40 = tpu.vector_load %arg9[%swap3A, %swap3A_39] {strides = array<i32>} : memref<32x128xf32, #tpu.memory_space<vmem>>, vector<1x16xf32>,
        %swap3A_41 = vector.shape_cast %swap3A_40 : vector<1x16xf32> to vector<16xf32>
        %swap3A_42 = vector.shape_cast %broadcast_in_dim3A_36 : vector<16xf32> to vector<1x16xf32>
        tpu.vector_store %arg9[%swap3A, %swap3A_39], %swap3A_42 {strides = array<i32>} : memref<32x128xf32, #tpu.memory_space<vmem>>, vector<1x16xf32>,
        %scan3A_43 = arith.constant 0 : i32
        scf.yield %scan3A_43 : i32
      }
      %scan3A_32 = arith.constant 8 : i32
      %scan3A_33 = arith.constant 0 : i32
      scf.yield %scan3A_33 : i32
    }
    %scan3A_8 = arith.constant 32 : i32
    %scan3A_9 = arith.constant 0 : i32
    %scan3A_10 = arith.constant 0 : i32
    %scan3A_11 = arith.constant 10 : i32
    %scan3A_12 = arith.addi %scan3A_10, %scan3A_11 : i32
    %scan3A_13 = arith.constant 1 : i32
    %scan3A_14 = scf.for %scan3A_24 = %scan3A_10 to %scan3A_12 step %scan3A_13 iter_args(%scan3A_25 = %scan3A_9) -> (i32)  : i32 {
      %mul3A_26 = arith.constant 32 : i32
      %mul3A_27 = arith.muli %scan3A_24, %mul3A_26 : i32
      %add3A_28 = arith.addi %mul3A_2, %mul3A_27 : i32
      "tpu.region"() ({
        %run_scoped3A = tpu.sem_alloc : memref<!tpu.dma_semaphore, #tpu.memory_space<semaphore_mem>>
        %dma_start3A = arith.constant 0 : i32
        %dma_start3A_30 = tpu.memref_slice %arg10[%add3A_28, %dma_start3A] : memref<5120x128xf32, #tpu.memory_space<vmem_shared>> -> memref<32x128xf32, #tpu.memory_space<vmem_shared>>
        %dma_start3A_31 = arith.constant 0 : i32
        %dma_start3A_32 = tpu.memref_slice %arg10[%add3A_28, %dma_start3A_31] : memref<5120x128xf32, #tpu.memory_space<vmem_shared>> -> memref<32x128xf32, #tpu.memory_space<vmem_shared>>
        tpu.enqueue_dma source(%arg9 : memref<32x128xf32, #tpu.memory_space<vmem>>) target(%dma_start3A_32 : memref<32x128xf32, #tpu.memory_space<vmem_shared>>) target_semaphore(%run_scoped3A : memref<!tpu.dma_semaphore, #tpu.memory_space<semaphore_mem>>)
        %dma_wait3A = arith.constant 0 : i32
        %dma_wait3A_33 = tpu.memref_slice %arg10[%add3A_28, %dma_wait3A] : memref<5120x128xf32, #tpu.memory_space<vmem_shared>> -> memref<32x128xf32, #tpu.memory_space<vmem_shared>>
        %dma_wait3A_34 = arith.constant 0 : i32
        %dma_wait3A_35 = tpu.memref_slice %arg10[%add3A_28, %dma_wait3A_34] : memref<5120x128xf32, #tpu.memory_space<vmem_shared>> -> memref<32x128xf32, #tpu.memory_space<vmem_shared>>
        tpu.wait_dma2 semaphore(%run_scoped3A : memref<!tpu.dma_semaphore, #tpu.memory_space<semaphore_mem>>) src(%arg9 : memref<32x128xf32, #tpu.memory_space<vmem>>) dst(%dma_wait3A_35 : memref<32x128xf32, #tpu.memory_space<vmem_shared>>)
        tpu.yield
      }) : () -> ()
      %scan3A_29 = arith.constant 0 : i32
      scf.yield %scan3A_29 : i32
    }
    %scan3A_15 = arith.constant 10 : i32
    %barrier3A = arith.constant 0 : index
    tpu.barrier barrier_id(%barrier3A)
    "tpu.region"() ({
      %run_scoped3A = tpu.sem_alloc : memref<!tpu.dma_semaphore, #tpu.memory_space<semaphore_mem>>
      %dma_start3A = arith.constant 0 : i32
      %dma_start3A_24 = arith.constant 0 : i32
      %dma_start3A_25 = tpu.memref_slice %arg3[%add3A, %dma_start3A, %dma_start3A_24] : memref<32x112x128xi32, #tpu.memory_space<hbm>> -> memref<1x112x128xi32, #tpu.memory_space<hbm>>
      %dma_start3A_26 = tpu.memref_squeeze %dma_start3A_25 : memref<1x112x128xi32, #tpu.memory_space<hbm>> -> memref<112x128xi32, #tpu.memory_space<hbm>>
      %dma_start3A_27 = arith.constant 0 : i32
      %dma_start3A_28 = arith.constant 0 : i32
      %dma_start3A_29 = tpu.memref_slice %arg3[%add3A, %dma_start3A_27, %dma_start3A_28] : memref<32x112x128xi32, #tpu.memory_space<hbm>> -> memref<1x112x128xi32, #tpu.memory_space<hbm>>
      %dma_start3A_30 = tpu.memref_squeeze %dma_start3A_29 : memref<1x112x128xi32, #tpu.memory_space<hbm>> -> memref<112x128xi32, #tpu.memory_space<hbm>>
      tpu.enqueue_dma source(%dma_start3A_30 : memref<112x128xi32, #tpu.memory_space<hbm>>) target(%arg6 : memref<112x128xi32, #tpu.memory_space<vmem>>) target_semaphore(%run_scoped3A : memref<!tpu.dma_semaphore, #tpu.memory_space<semaphore_mem>>)
      %dma_wait3A = arith.constant 0 : i32
      %dma_wait3A_31 = arith.constant 0 : i32
      %dma_wait3A_32 = tpu.memref_slice %arg3[%add3A, %dma_wait3A, %dma_wait3A_31] : memref<32x112x128xi32, #tpu.memory_space<hbm>> -> memref<1x112x128xi32, #tpu.memory_space<hbm>>
      %dma_wait3A_33 = tpu.memref_squeeze %dma_wait3A_32 : memref<1x112x128xi32, #tpu.memory_space<hbm>> -> memref<112x128xi32, #tpu.memory_space<hbm>>
      %dma_wait3A_34 = arith.constant 0 : i32
      %dma_wait3A_35 = arith.constant 0 : i32
      %dma_wait3A_36 = tpu.memref_slice %arg3[%add3A, %dma_wait3A_34, %dma_wait3A_35] : memref<32x112x128xi32, #tpu.memory_space<hbm>> -> memref<1x112x128xi32, #tpu.memory_space<hbm>>
      %dma_wait3A_37 = tpu.memref_squeeze %dma_wait3A_36 : memref<1x112x128xi32, #tpu.memory_space<hbm>> -> memref<112x128xi32, #tpu.memory_space<hbm>>
      tpu.wait_dma2 semaphore(%run_scoped3A : memref<!tpu.dma_semaphore, #tpu.memory_space<semaphore_mem>>) src(%dma_wait3A_37 : memref<112x128xi32, #tpu.memory_space<hbm>>) dst(%arg6 : memref<112x128xi32, #tpu.memory_space<vmem>>)
      tpu.yield
    }) : () -> ()
    "tpu.region"() ({
      %run_scoped3A = tpu.sem_alloc : memref<!tpu.dma_semaphore, #tpu.memory_space<semaphore_mem>>
      %dma_start3A = arith.constant 0 : i32
      %dma_start3A_24 = arith.constant 0 : i32
      %dma_start3A_25 = tpu.memref_slice %arg4[%add3A, %dma_start3A, %dma_start3A_24] : memref<32x112x128xi32, #tpu.memory_space<hbm>> -> memref<1x112x128xi32, #tpu.memory_space<hbm>>
      %dma_start3A_26 = tpu.memref_squeeze %dma_start3A_25 : memref<1x112x128xi32, #tpu.memory_space<hbm>> -> memref<112x128xi32, #tpu.memory_space<hbm>>
      %dma_start3A_27 = arith.constant 0 : i32
      %dma_start3A_28 = arith.constant 0 : i32
      %dma_start3A_29 = tpu.memref_slice %arg4[%add3A, %dma_start3A_27, %dma_start3A_28] : memref<32x112x128xi32, #tpu.memory_space<hbm>> -> memref<1x112x128xi32, #tpu.memory_space<hbm>>
      %dma_start3A_30 = tpu.memref_squeeze %dma_start3A_29 : memref<1x112x128xi32, #tpu.memory_space<hbm>> -> memref<112x128xi32, #tpu.memory_space<hbm>>
      tpu.enqueue_dma source(%dma_start3A_30 : memref<112x128xi32, #tpu.memory_space<hbm>>) target(%arg7 : memref<112x128xi32, #tpu.memory_space<vmem>>) target_semaphore(%run_scoped3A : memref<!tpu.dma_semaphore, #tpu.memory_space<semaphore_mem>>)
      %dma_wait3A = arith.constant 0 : i32
      %dma_wait3A_31 = arith.constant 0 : i32
      %dma_wait3A_32 = tpu.memref_slice %arg4[%add3A, %dma_wait3A, %dma_wait3A_31] : memref<32x112x128xi32, #tpu.memory_space<hbm>> -> memref<1x112x128xi32, #tpu.memory_space<hbm>>
      %dma_wait3A_33 = tpu.memref_squeeze %dma_wait3A_32 : memref<1x112x128xi32, #tpu.memory_space<hbm>> -> memref<112x128xi32, #tpu.memory_space<hbm>>
      %dma_wait3A_34 = arith.constant 0 : i32
      %dma_wait3A_35 = arith.constant 0 : i32
      %dma_wait3A_36 = tpu.memref_slice %arg4[%add3A, %dma_wait3A_34, %dma_wait3A_35] : memref<32x112x128xi32, #tpu.memory_space<hbm>> -> memref<1x112x128xi32, #tpu.memory_space<hbm>>
      %dma_wait3A_37 = tpu.memref_squeeze %dma_wait3A_36 : memref<1x112x128xi32, #tpu.memory_space<hbm>> -> memref<112x128xi32, #tpu.memory_space<hbm>>
      tpu.wait_dma2 semaphore(%run_scoped3A : memref<!tpu.dma_semaphore, #tpu.memory_space<semaphore_mem>>) src(%dma_wait3A_37 : memref<112x128xi32, #tpu.memory_space<hbm>>) dst(%arg7 : memref<112x128xi32, #tpu.memory_space<vmem>>)
      tpu.yield
    }) : () -> ()
    %eq3A = arith.constant 1 : i32
    %eq3A_16 = arith.cmpi eq, %arg0, %eq3A : i32
    %convert_element_type3A = arith.extui %eq3A_16 : i1 to i32
    %cond3A = arith.constant 0 : i32
    %cond3A_17 = arith.cmpi ne, %convert_element_type3A, %cond3A : i32
    scf.if %cond3A_17 {
      %scan3A_24 = arith.constant 0 : i32
      %scan3A_25 = arith.constant 0 : i32
      %scan3A_26 = arith.constant 112 : i32
      %scan3A_27 = arith.addi %scan3A_25, %scan3A_26 : i32
      %scan3A_28 = arith.constant 1 : i32
      %scan3A_29 = scf.for %scan3A_31 = %scan3A_25 to %scan3A_27 step %scan3A_28 iter_args(%scan3A_32 = %scan3A_24) -> (i32)  : i32 {
        %dma_start3A = arith.constant 0 : i32
        %dma_start3A_33 = tpu.memref_slice %arg6[%scan3A_31, %dma_start3A] : memref<112x128xi32, #tpu.memory_space<vmem>> -> memref<1x128xi32, #tpu.memory_space<vmem>>
        %dma_start3A_34 = tpu.memref_squeeze %dma_start3A_33 : memref<1x128xi32, #tpu.memory_space<vmem>> -> memref<128xi32, #tpu.memory_space<vmem>>
        %dma_start3A_35 = arith.constant 0 : i32
        %dma_start3A_36 = arith.constant 0 : i32
        %dma_start3A_37 = tpu.memref_slice %arg2[%dma_start3A_35, %dma_start3A_36] : memref<10000x128xf32, #tpu.memory_space<hbm>> -> memref<10000x128xf32, #tpu.memory_space<hbm>>
        tpu.enqueue_indirect_dma source(%dma_start3A_37 : memref<10000x128xf32, #tpu.memory_space<hbm>>) target(%arg8 : memref<128x128xf32, #tpu.memory_space<vmem>>) offsets(%dma_start3A_34 : memref<128xi32, #tpu.memory_space<vmem>>) semaphore(%arg11 : memref<!tpu.dma_semaphore, #tpu.memory_space<semaphore_mem>>)
        %dma_wait3A = arith.constant 0 : i32
        %dma_wait3A_38 = tpu.memref_slice %arg6[%scan3A_31, %dma_wait3A] : memref<112x128xi32, #tpu.memory_space<vmem>> -> memref<1x128xi32, #tpu.memory_space<vmem>>
        %dma_wait3A_39 = tpu.memref_squeeze %dma_wait3A_38 : memref<1x128xi32, #tpu.memory_space<vmem>> -> memref<128xi32, #tpu.memory_space<vmem>>
        %dma_wait3A_40 = arith.constant 0 : i32
        %dma_wait3A_41 = arith.constant 0 : i32
        %dma_wait3A_42 = tpu.memref_slice %arg2[%dma_wait3A_40, %dma_wait3A_41] : memref<10000x128xf32, #tpu.memory_space<hbm>> -> memref<10000x128xf32, #tpu.memory_space<hbm>>
        tpu.wait_indirect_dma semaphore(%arg11 : memref<!tpu.dma_semaphore, #tpu.memory_space<semaphore_mem>>) src(%dma_wait3A_42 : memref<10000x128xf32, #tpu.memory_space<hbm>>) dst(%arg8 : memref<128x128xf32, #tpu.memory_space<vmem>>)
        "tpu.region"() ({
          %run_scoped3A = tpu.sem_alloc : memref<!tpu.dma_semaphore, #tpu.memory_space<semaphore_mem>>
          %dma_start3A_44 = arith.constant 0 : i32
          %dma_start3A_45 = tpu.memref_slice %arg7[%scan3A_31, %dma_start3A_44] : memref<112x128xi32, #tpu.memory_space<vmem>> -> memref<1x128xi32, #tpu.memory_space<vmem>>
          %dma_start3A_46 = tpu.memref_squeeze %dma_start3A_45 : memref<1x128xi32, #tpu.memory_space<vmem>> -> memref<128xi32, #tpu.memory_space<vmem>>
          %dma_start3A_47 = arith.constant 0 : i32
          %dma_start3A_48 = arith.constant 0 : i32
          %dma_start3A_49 = tpu.memref_slice %arg10[%dma_start3A_47, %dma_start3A_48] : memref<5120x128xf32, #tpu.memory_space<vmem_shared>> -> memref<5120x128xf32, #tpu.memory_space<vmem_shared>>
          tpu.enqueue_indirect_dma source(%arg8 : memref<128x128xf32, #tpu.memory_space<vmem>>) target(%dma_start3A_49 : memref<5120x128xf32, #tpu.memory_space<vmem_shared>>) offsets(%dma_start3A_46 : memref<128xi32, #tpu.memory_space<vmem>>) semaphore(%run_scoped3A : memref<!tpu.dma_semaphore, #tpu.memory_space<semaphore_mem>>) {add = true}
          %dma_wait3A_50 = arith.constant 0 : i32
          %dma_wait3A_51 = tpu.memref_slice %arg7[%scan3A_31, %dma_wait3A_50] : memref<112x128xi32, #tpu.memory_space<vmem>> -> memref<1x128xi32, #tpu.memory_space<vmem>>
          %dma_wait3A_52 = tpu.memref_squeeze %dma_wait3A_51 : memref<1x128xi32, #tpu.memory_space<vmem>> -> memref<128xi32, #tpu.memory_space<vmem>>
          %dma_wait3A_53 = arith.constant 0 : i32
          %dma_wait3A_54 = arith.constant 0 : i32
          %dma_wait3A_55 = tpu.memref_slice %arg10[%dma_wait3A_53, %dma_wait3A_54] : memref<5120x128xf32, #tpu.memory_space<vmem_shared>> -> memref<5120x128xf32, #tpu.memory_space<vmem_shared>>
          tpu.wait_indirect_dma semaphore(%run_scoped3A : memref<!tpu.dma_semaphore, #tpu.memory_space<semaphore_mem>>) src(%arg8 : memref<128x128xf32, #tpu.memory_space<vmem>>) dst(%dma_wait3A_55 : memref<5120x128xf32, #tpu.memory_space<vmem_shared>>)
          tpu.yield
        }) : () -> ()
        %scan3A_43 = arith.constant 0 : i32
        scf.yield %scan3A_43 : i32
      }
      %scan3A_30 = arith.constant 112 : i32
    } else {
    }
    %eq3A_18 = arith.constant 0 : i32
    %eq3A_19 = arith.cmpi eq, %arg0, %eq3A_18 : i32
    %convert_element_type3A_20 = arith.extui %eq3A_19 : i1 to i32
    %cond3A_21 = arith.constant 0 : i32
    %cond3A_22 = arith.cmpi ne, %convert_element_type3A_20, %cond3A_21 : i32
    scf.if %cond3A_22 {
      %scan3A_24 = arith.constant 0 : i32
      %scan3A_25 = arith.constant 0 : i32
      %scan3A_26 = arith.constant 46 : i32
      %scan3A_27 = arith.addi %scan3A_25, %scan3A_26 : i32
      %scan3A_28 = arith.constant 1 : i32
      %scan3A_29 = scf.for %scan3A_31 = %scan3A_25 to %scan3A_27 step %scan3A_28 iter_args(%scan3A_32 = %scan3A_24) -> (i32)  : i32 {
        %dma_start3A = arith.constant 0 : i32
        %dma_start3A_33 = tpu.memref_slice %arg6[%scan3A_31, %dma_start3A] : memref<112x128xi32, #tpu.memory_space<vmem>> -> memref<1x128xi32, #tpu.memory_space<vmem>>
        %dma_start3A_34 = tpu.memref_squeeze %dma_start3A_33 : memref<1x128xi32, #tpu.memory_space<vmem>> -> memref<128xi32, #tpu.memory_space<vmem>>
        %dma_start3A_35 = arith.constant 0 : i32
        %dma_start3A_36 = arith.constant 0 : i32
        %dma_start3A_37 = tpu.memref_slice %arg2[%dma_start3A_35, %dma_start3A_36] : memref<10000x128xf32, #tpu.memory_space<hbm>> -> memref<10000x128xf32, #tpu.memory_space<hbm>>
        tpu.enqueue_indirect_dma source(%dma_start3A_37 : memref<10000x128xf32, #tpu.memory_space<hbm>>) target(%arg8 : memref<128x128xf32, #tpu.memory_space<vmem>>) offsets(%dma_start3A_34 : memref<128xi32, #tpu.memory_space<vmem>>) semaphore(%arg11 : memref<!tpu.dma_semaphore, #tpu.memory_space<semaphore_mem>>)
        %dma_wait3A = arith.constant 0 : i32
        %dma_wait3A_38 = tpu.memref_slice %arg6[%scan3A_31, %dma_wait3A] : memref<112x128xi32, #tpu.memory_space<vmem>> -> memref<1x128xi32, #tpu.memory_space<vmem>>
        %dma_wait3A_39 = tpu.memref_squeeze %dma_wait3A_38 : memref<1x128xi32, #tpu.memory_space<vmem>> -> memref<128xi32, #tpu.memory_space<vmem>>
        %dma_wait3A_40 = arith.constant 0 : i32
        %dma_wait3A_41 = arith.constant 0 : i32
        %dma_wait3A_42 = tpu.memref_slice %arg2[%dma_wait3A_40, %dma_wait3A_41] : memref<10000x128xf32, #tpu.memory_space<hbm>> -> memref<10000x128xf32, #tpu.memory_space<hbm>>
        tpu.wait_indirect_dma semaphore(%arg11 : memref<!tpu.dma_semaphore, #tpu.memory_space<semaphore_mem>>) src(%dma_wait3A_42 : memref<10000x128xf32, #tpu.memory_space<hbm>>) dst(%arg8 : memref<128x128xf32, #tpu.memory_space<vmem>>)
        "tpu.region"() ({
          %run_scoped3A = tpu.sem_alloc : memref<!tpu.dma_semaphore, #tpu.memory_space<semaphore_mem>>
          %dma_start3A_44 = arith.constant 0 : i32
          %dma_start3A_45 = tpu.memref_slice %arg7[%scan3A_31, %dma_start3A_44] : memref<112x128xi32, #tpu.memory_space<vmem>> -> memref<1x128xi32, #tpu.memory_space<vmem>>
          %dma_start3A_46 = tpu.memref_squeeze %dma_start3A_45 : memref<1x128xi32, #tpu.memory_space<vmem>> -> memref<128xi32, #tpu.memory_space<vmem>>
          %dma_start3A_47 = arith.constant 0 : i32
          %dma_start3A_48 = arith.constant 0 : i32
          %dma_start3A_49 = tpu.memref_slice %arg10[%dma_start3A_47, %dma_start3A_48] : memref<5120x128xf32, #tpu.memory_space<vmem_shared>> -> memref<5120x128xf32, #tpu.memory_space<vmem_shared>>
          tpu.enqueue_indirect_dma source(%arg8 : memref<128x128xf32, #tpu.memory_space<vmem>>) target(%dma_start3A_49 : memref<5120x128xf32, #tpu.memory_space<vmem_shared>>) offsets(%dma_start3A_46 : memref<128xi32, #tpu.memory_space<vmem>>) semaphore(%run_scoped3A : memref<!tpu.dma_semaphore, #tpu.memory_space<semaphore_mem>>) {add = true}
          %dma_wait3A_50 = arith.constant 0 : i32
          %dma_wait3A_51 = tpu.memref_slice %arg7[%scan3A_31, %dma_wait3A_50] : memref<112x128xi32, #tpu.memory_space<vmem>> -> memref<1x128xi32, #tpu.memory_space<vmem>>
          %dma_wait3A_52 = tpu.memref_squeeze %dma_wait3A_51 : memref<1x128xi32, #tpu.memory_space<vmem>> -> memref<128xi32, #tpu.memory_space<vmem>>
          %dma_wait3A_53 = arith.constant 0 : i32
          %dma_wait3A_54 = arith.constant 0 : i32
          %dma_wait3A_55 = tpu.memref_slice %arg10[%dma_wait3A_53, %dma_wait3A_54] : memref<5120x128xf32, #tpu.memory_space<vmem_shared>> -> memref<5120x128xf32, #tpu.memory_space<vmem_shared>>
          tpu.wait_indirect_dma semaphore(%run_scoped3A : memref<!tpu.dma_semaphore, #tpu.memory_space<semaphore_mem>>) src(%arg8 : memref<128x128xf32, #tpu.memory_space<vmem>>) dst(%dma_wait3A_55 : memref<5120x128xf32, #tpu.memory_space<vmem_shared>>)
          tpu.yield
        }) : () -> ()
        %scan3A_43 = arith.constant 0 : i32
        scf.yield %scan3A_43 : i32
      }
      %scan3A_30 = arith.constant 46 : i32
    } else {
    }
    %barrier3A_23 = arith.constant 0 : index
    tpu.barrier barrier_id(%barrier3A_23)
    "tpu.region"() ({
      %run_scoped3A = tpu.sem_alloc : memref<!tpu.dma_semaphore, #tpu.memory_space<semaphore_mem>>
      %dma_start3A = arith.constant 0 : i32
      %dma_start3A_24 = tpu.memref_slice %arg5[%arg0, %mul3A_2, %dma_start3A] : memref<2x5120x128xf32, #tpu.memory_space<hbm>> -> memref<1x320x128xf32, #tpu.memory_space<hbm>>
      %dma_start3A_25 = tpu.memref_squeeze %dma_start3A_24 : memref<1x320x128xf32, #tpu.memory_space<hbm>> -> memref<320x128xf32, #tpu.memory_space<hbm>>
      %dma_start3A_26 = arith.constant 0 : i32
      %dma_start3A_27 = tpu.memref_slice %arg10[%mul3A_2, %dma_start3A_26] : memref<5120x128xf32, #tpu.memory_space<vmem_shared>> -> memref<320x128xf32, #tpu.memory_space<vmem_shared>>
      tpu.enqueue_dma source(%dma_start3A_27 : memref<320x128xf32, #tpu.memory_space<vmem_shared>>) target(%dma_start3A_25 : memref<320x128xf32, #tpu.memory_space<hbm>>) target_semaphore(%run_scoped3A : memref<!tpu.dma_semaphore, #tpu.memory_space<semaphore_mem>>)
      %dma_wait3A = arith.constant 0 : i32
      %dma_wait3A_28 = tpu.memref_slice %arg5[%arg0, %mul3A_2, %dma_wait3A] : memref<2x5120x128xf32, #tpu.memory_space<hbm>> -> memref<1x320x128xf32, #tpu.memory_space<hbm>>
      %dma_wait3A_29 = tpu.memref_squeeze %dma_wait3A_28 : memref<1x320x128xf32, #tpu.memory_space<hbm>> -> memref<320x128xf32, #tpu.memory_space<hbm>>
      %dma_wait3A_30 = arith.constant 0 : i32
      %dma_wait3A_31 = tpu.memref_slice %arg10[%mul3A_2, %dma_wait3A_30] : memref<5120x128xf32, #tpu.memory_space<vmem_shared>> -> memref<320x128xf32, #tpu.memory_space<vmem_shared>>
      tpu.wait_dma2 semaphore(%run_scoped3A : memref<!tpu.dma_semaphore, #tpu.memory_space<semaphore_mem>>) src(%dma_wait3A_31 : memref<320x128xf32, #tpu.memory_space<vmem_shared>>) dst(%dma_wait3A_29 : memref<320x128xf32, #tpu.memory_space<hbm>>)
      tpu.yield
    }) : () -> ()
    return
  }
}

#map = affine_map<(d0, d1) -> (0, 0)>
#map1 = affine_map<(d0, d1) -> (0, 0, 0)>
module attributes {stable_mosaic.version = 14 : i64} {
  func.func @body(%arg0: i32, %arg1: i32, %arg2: memref<5000x128xf32, #tpu.memory_space<hbm>>, %arg3: memref<32x112x128xi32, #tpu.memory_space<hbm>>, %arg4: memref<32x112x128xi32, #tpu.memory_space<hbm>>, %arg5: memref<2x10240x128xf32, #tpu.memory_space<hbm>>, %arg6: memref<112x128xi32, #tpu.memory_space<vmem>>, %arg7: memref<112x128xi32, #tpu.memory_space<vmem>>, %arg8: memref<128x128xf32, #tpu.memory_space<vmem>>, %arg9: memref<32x128xf32, #tpu.memory_space<vmem>>, %arg10: memref<10240x128xf32, #tpu.memory_space<vmem_shared>>, %arg11: memref<!tpu.dma_semaphore, #tpu.memory_space<semaphore_mem>>) attributes {dimension_semantics = [#tpu.dimension_semantics<core_parallel>, #tpu.dimension_semantics<subcore_parallel>], iteration_bounds = array<i64: 2, 16>, scalar_prefetch = 0 : i64, scratch_operands = 6 : i64, tpu.core_type = #tpu.core_type<sc_vector_subcore>, window_params = [{transform_indices = #map}, {transform_indices = #map1}, {transform_indices = #map1}, {transform_indices = #map1}]} {
    %mul3A = arith.constant 2 : i32
    %mul3A_0 = arith.muli %arg1, %mul3A : i32
    %add3A = arith.addi %mul3A_0, %arg0 : i32
    %mul3A_1 = arith.constant 640 : i32
    %mul3A_2 = arith.muli %arg1, %mul3A_1 : i32
    %scan3A = arith.constant 0 : i32
    %scan3A_3 = arith.constant 0 : i32
    %scan3A_4 = arith.constant 32 : i32
    %scan3A_5 = arith.addi %scan3A_3, %scan3A_4 : i32
    %scan3A_6 = arith.constant 1 : i32
    %scan3A_7 = scf.for %scan3A_24 = %scan3A_3 to %scan3A_5 step %scan3A_6 iter_args(%scan3A_25 = %scan3A) -> (i32)  : i32 {
      %scan3A_26 = arith.constant 0 : i32
      %scan3A_27 = arith.constant 0 : i32
      %scan3A_28 = arith.constant 8 : i32
      %scan3A_29 = arith.addi %scan3A_27, %scan3A_28 : i32
      %scan3A_30 = arith.constant 1 : i32
      %scan3A_31 = scf.for %scan3A_34 = %scan3A_27 to %scan3A_29 step %scan3A_30 iter_args(%scan3A_35 = %scan3A_26) -> (i32)  : i32 {
        %broadcast_in_dim3A = arith.constant 0.000000e+00 : f32
        %broadcast_in_dim3A_36 = vector.broadcast %broadcast_in_dim3A : f32 to vector<16xf32>
        %mul3A_37 = arith.constant 16 : i32
        %mul3A_38 = arith.muli %scan3A_34, %mul3A_37 : i32
        %swap3A = arith.index_cast %scan3A_24 : i32 to index
        %swap3A_39 = arith.index_cast %mul3A_38 : i32 to index
        %swap3A_40 = tpu.vector_load %arg9[%swap3A, %swap3A_39] {strides = array<i32>} : memref<32x128xf32, #tpu.memory_space<vmem>>, vector<1x16xf32>,
        %swap3A_41 = vector.shape_cast %swap3A_40 : vector<1x16xf32> to vector<16xf32>
        %swap3A_42 = vector.shape_cast %broadcast_in_dim3A_36 : vector<16xf32> to vector<1x16xf32>
        tpu.vector_store %arg9[%swap3A, %swap3A_39], %swap3A_42 {strides = array<i32>} : memref<32x128xf32, #tpu.memory_space<vmem>>, vector<1x16xf32>,
        %scan3A_43 = arith.constant 0 : i32
        scf.yield %scan3A_43 : i32
      }
      %scan3A_32 = arith.constant 8 : i32
      %scan3A_33 = arith.constant 0 : i32
      scf.yield %scan3A_33 : i32
    }
    %scan3A_8 = arith.constant 32 : i32
    %scan3A_9 = arith.constant 0 : i32
    %scan3A_10 = arith.constant 0 : i32
    %scan3A_11 = arith.constant 20 : i32
    %scan3A_12 = arith.addi %scan3A_10, %scan3A_11 : i32
    %scan3A_13 = arith.constant 1 : i32
    %scan3A_14 = scf.for %scan3A_24 = %scan3A_10 to %scan3A_12 step %scan3A_13 iter_args(%scan3A_25 = %scan3A_9) -> (i32)  : i32 {
      %mul3A_26 = arith.constant 32 : i32
      %mul3A_27 = arith.muli %scan3A_24, %mul3A_26 : i32
      %add3A_28 = arith.addi %mul3A_2, %mul3A_27 : i32
      "tpu.region"() ({
        %run_scoped3A = tpu.sem_alloc : memref<!tpu.dma_semaphore, #tpu.memory_space<semaphore_mem>>
        %dma_start3A = arith.constant 0 : i32
        %dma_start3A_30 = tpu.memref_slice %arg10[%add3A_28, %dma_start3A] : memref<10240x128xf32, #tpu.memory_space<vmem_shared>> -> memref<32x128xf32, #tpu.memory_space<vmem_shared>>
        %dma_start3A_31 = arith.constant 0 : i32
        %dma_start3A_32 = tpu.memref_slice %arg10[%add3A_28, %dma_start3A_31] : memref<10240x128xf32, #tpu.memory_space<vmem_shared>> -> memref<32x128xf32, #tpu.memory_space<vmem_shared>>
        tpu.enqueue_dma source(%arg9 : memref<32x128xf32, #tpu.memory_space<vmem>>) target(%dma_start3A_32 : memref<32x128xf32, #tpu.memory_space<vmem_shared>>) target_semaphore(%run_scoped3A : memref<!tpu.dma_semaphore, #tpu.memory_space<semaphore_mem>>)
        %dma_wait3A = arith.constant 0 : i32
        %dma_wait3A_33 = tpu.memref_slice %arg10[%add3A_28, %dma_wait3A] : memref<10240x128xf32, #tpu.memory_space<vmem_shared>> -> memref<32x128xf32, #tpu.memory_space<vmem_shared>>
        %dma_wait3A_34 = arith.constant 0 : i32
        %dma_wait3A_35 = tpu.memref_slice %arg10[%add3A_28, %dma_wait3A_34] : memref<10240x128xf32, #tpu.memory_space<vmem_shared>> -> memref<32x128xf32, #tpu.memory_space<vmem_shared>>
        tpu.wait_dma2 semaphore(%run_scoped3A : memref<!tpu.dma_semaphore, #tpu.memory_space<semaphore_mem>>) src(%arg9 : memref<32x128xf32, #tpu.memory_space<vmem>>) dst(%dma_wait3A_35 : memref<32x128xf32, #tpu.memory_space<vmem_shared>>)
        tpu.yield
      }) : () -> ()
      %scan3A_29 = arith.constant 0 : i32
      scf.yield %scan3A_29 : i32
    }
    %scan3A_15 = arith.constant 20 : i32
    %barrier3A = arith.constant 0 : index
    tpu.barrier barrier_id(%barrier3A)
    "tpu.region"() ({
      %run_scoped3A = tpu.sem_alloc : memref<!tpu.dma_semaphore, #tpu.memory_space<semaphore_mem>>
      %dma_start3A = arith.constant 0 : i32
      %dma_start3A_24 = arith.constant 0 : i32
      %dma_start3A_25 = tpu.memref_slice %arg3[%add3A, %dma_start3A, %dma_start3A_24] : memref<32x112x128xi32, #tpu.memory_space<hbm>> -> memref<1x112x128xi32, #tpu.memory_space<hbm>>
      %dma_start3A_26 = tpu.memref_squeeze %dma_start3A_25 : memref<1x112x128xi32, #tpu.memory_space<hbm>> -> memref<112x128xi32, #tpu.memory_space<hbm>>
      %dma_start3A_27 = arith.constant 0 : i32
      %dma_start3A_28 = arith.constant 0 : i32
      %dma_start3A_29 = tpu.memref_slice %arg3[%add3A, %dma_start3A_27, %dma_start3A_28] : memref<32x112x128xi32, #tpu.memory_space<hbm>> -> memref<1x112x128xi32, #tpu.memory_space<hbm>>
      %dma_start3A_30 = tpu.memref_squeeze %dma_start3A_29 : memref<1x112x128xi32, #tpu.memory_space<hbm>> -> memref<112x128xi32, #tpu.memory_space<hbm>>
      tpu.enqueue_dma source(%dma_start3A_30 : memref<112x128xi32, #tpu.memory_space<hbm>>) target(%arg6 : memref<112x128xi32, #tpu.memory_space<vmem>>) target_semaphore(%run_scoped3A : memref<!tpu.dma_semaphore, #tpu.memory_space<semaphore_mem>>)
      %dma_wait3A = arith.constant 0 : i32
      %dma_wait3A_31 = arith.constant 0 : i32
      %dma_wait3A_32 = tpu.memref_slice %arg3[%add3A, %dma_wait3A, %dma_wait3A_31] : memref<32x112x128xi32, #tpu.memory_space<hbm>> -> memref<1x112x128xi32, #tpu.memory_space<hbm>>
      %dma_wait3A_33 = tpu.memref_squeeze %dma_wait3A_32 : memref<1x112x128xi32, #tpu.memory_space<hbm>> -> memref<112x128xi32, #tpu.memory_space<hbm>>
      %dma_wait3A_34 = arith.constant 0 : i32
      %dma_wait3A_35 = arith.constant 0 : i32
      %dma_wait3A_36 = tpu.memref_slice %arg3[%add3A, %dma_wait3A_34, %dma_wait3A_35] : memref<32x112x128xi32, #tpu.memory_space<hbm>> -> memref<1x112x128xi32, #tpu.memory_space<hbm>>
      %dma_wait3A_37 = tpu.memref_squeeze %dma_wait3A_36 : memref<1x112x128xi32, #tpu.memory_space<hbm>> -> memref<112x128xi32, #tpu.memory_space<hbm>>
      tpu.wait_dma2 semaphore(%run_scoped3A : memref<!tpu.dma_semaphore, #tpu.memory_space<semaphore_mem>>) src(%dma_wait3A_37 : memref<112x128xi32, #tpu.memory_space<hbm>>) dst(%arg6 : memref<112x128xi32, #tpu.memory_space<vmem>>)
      tpu.yield
    }) : () -> ()
    "tpu.region"() ({
      %run_scoped3A = tpu.sem_alloc : memref<!tpu.dma_semaphore, #tpu.memory_space<semaphore_mem>>
      %dma_start3A = arith.constant 0 : i32
      %dma_start3A_24 = arith.constant 0 : i32
      %dma_start3A_25 = tpu.memref_slice %arg4[%add3A, %dma_start3A, %dma_start3A_24] : memref<32x112x128xi32, #tpu.memory_space<hbm>> -> memref<1x112x128xi32, #tpu.memory_space<hbm>>
      %dma_start3A_26 = tpu.memref_squeeze %dma_start3A_25 : memref<1x112x128xi32, #tpu.memory_space<hbm>> -> memref<112x128xi32, #tpu.memory_space<hbm>>
      %dma_start3A_27 = arith.constant 0 : i32
      %dma_start3A_28 = arith.constant 0 : i32
      %dma_start3A_29 = tpu.memref_slice %arg4[%add3A, %dma_start3A_27, %dma_start3A_28] : memref<32x112x128xi32, #tpu.memory_space<hbm>> -> memref<1x112x128xi32, #tpu.memory_space<hbm>>
      %dma_start3A_30 = tpu.memref_squeeze %dma_start3A_29 : memref<1x112x128xi32, #tpu.memory_space<hbm>> -> memref<112x128xi32, #tpu.memory_space<hbm>>
      tpu.enqueue_dma source(%dma_start3A_30 : memref<112x128xi32, #tpu.memory_space<hbm>>) target(%arg7 : memref<112x128xi32, #tpu.memory_space<vmem>>) target_semaphore(%run_scoped3A : memref<!tpu.dma_semaphore, #tpu.memory_space<semaphore_mem>>)
      %dma_wait3A = arith.constant 0 : i32
      %dma_wait3A_31 = arith.constant 0 : i32
      %dma_wait3A_32 = tpu.memref_slice %arg4[%add3A, %dma_wait3A, %dma_wait3A_31] : memref<32x112x128xi32, #tpu.memory_space<hbm>> -> memref<1x112x128xi32, #tpu.memory_space<hbm>>
      %dma_wait3A_33 = tpu.memref_squeeze %dma_wait3A_32 : memref<1x112x128xi32, #tpu.memory_space<hbm>> -> memref<112x128xi32, #tpu.memory_space<hbm>>
      %dma_wait3A_34 = arith.constant 0 : i32
      %dma_wait3A_35 = arith.constant 0 : i32
      %dma_wait3A_36 = tpu.memref_slice %arg4[%add3A, %dma_wait3A_34, %dma_wait3A_35] : memref<32x112x128xi32, #tpu.memory_space<hbm>> -> memref<1x112x128xi32, #tpu.memory_space<hbm>>
      %dma_wait3A_37 = tpu.memref_squeeze %dma_wait3A_36 : memref<1x112x128xi32, #tpu.memory_space<hbm>> -> memref<112x128xi32, #tpu.memory_space<hbm>>
      tpu.wait_dma2 semaphore(%run_scoped3A : memref<!tpu.dma_semaphore, #tpu.memory_space<semaphore_mem>>) src(%dma_wait3A_37 : memref<112x128xi32, #tpu.memory_space<hbm>>) dst(%arg7 : memref<112x128xi32, #tpu.memory_space<vmem>>)
      tpu.yield
    }) : () -> ()
    %eq3A = arith.constant 1 : i32
    %eq3A_16 = arith.cmpi eq, %arg0, %eq3A : i32
    %convert_element_type3A = arith.extui %eq3A_16 : i1 to i32
    %cond3A = arith.constant 0 : i32
    %cond3A_17 = arith.cmpi ne, %convert_element_type3A, %cond3A : i32
    scf.if %cond3A_17 {
      %scan3A_24 = arith.constant 0 : i32
      %scan3A_25 = arith.constant 0 : i32
      %scan3A_26 = arith.constant 112 : i32
      %scan3A_27 = arith.addi %scan3A_25, %scan3A_26 : i32
      %scan3A_28 = arith.constant 1 : i32
      %scan3A_29 = scf.for %scan3A_31 = %scan3A_25 to %scan3A_27 step %scan3A_28 iter_args(%scan3A_32 = %scan3A_24) -> (i32)  : i32 {
        %dma_start3A = arith.constant 0 : i32
        %dma_start3A_33 = tpu.memref_slice %arg6[%scan3A_31, %dma_start3A] : memref<112x128xi32, #tpu.memory_space<vmem>> -> memref<1x128xi32, #tpu.memory_space<vmem>>
        %dma_start3A_34 = tpu.memref_squeeze %dma_start3A_33 : memref<1x128xi32, #tpu.memory_space<vmem>> -> memref<128xi32, #tpu.memory_space<vmem>>
        %dma_start3A_35 = arith.constant 0 : i32
        %dma_start3A_36 = arith.constant 0 : i32
        %dma_start3A_37 = tpu.memref_slice %arg2[%dma_start3A_35, %dma_start3A_36] : memref<5000x128xf32, #tpu.memory_space<hbm>> -> memref<5000x128xf32, #tpu.memory_space<hbm>>
        tpu.enqueue_indirect_dma source(%dma_start3A_37 : memref<5000x128xf32, #tpu.memory_space<hbm>>) target(%arg8 : memref<128x128xf32, #tpu.memory_space<vmem>>) offsets(%dma_start3A_34 : memref<128xi32, #tpu.memory_space<vmem>>) semaphore(%arg11 : memref<!tpu.dma_semaphore, #tpu.memory_space<semaphore_mem>>)
        %dma_wait3A = arith.constant 0 : i32
        %dma_wait3A_38 = tpu.memref_slice %arg6[%scan3A_31, %dma_wait3A] : memref<112x128xi32, #tpu.memory_space<vmem>> -> memref<1x128xi32, #tpu.memory_space<vmem>>
        %dma_wait3A_39 = tpu.memref_squeeze %dma_wait3A_38 : memref<1x128xi32, #tpu.memory_space<vmem>> -> memref<128xi32, #tpu.memory_space<vmem>>
        %dma_wait3A_40 = arith.constant 0 : i32
        %dma_wait3A_41 = arith.constant 0 : i32
        %dma_wait3A_42 = tpu.memref_slice %arg2[%dma_wait3A_40, %dma_wait3A_41] : memref<5000x128xf32, #tpu.memory_space<hbm>> -> memref<5000x128xf32, #tpu.memory_space<hbm>>
        tpu.wait_indirect_dma semaphore(%arg11 : memref<!tpu.dma_semaphore, #tpu.memory_space<semaphore_mem>>) src(%dma_wait3A_42 : memref<5000x128xf32, #tpu.memory_space<hbm>>) dst(%arg8 : memref<128x128xf32, #tpu.memory_space<vmem>>)
        "tpu.region"() ({
          %run_scoped3A = tpu.sem_alloc : memref<!tpu.dma_semaphore, #tpu.memory_space<semaphore_mem>>
          %dma_start3A_44 = arith.constant 0 : i32
          %dma_start3A_45 = tpu.memref_slice %arg7[%scan3A_31, %dma_start3A_44] : memref<112x128xi32, #tpu.memory_space<vmem>> -> memref<1x128xi32, #tpu.memory_space<vmem>>
          %dma_start3A_46 = tpu.memref_squeeze %dma_start3A_45 : memref<1x128xi32, #tpu.memory_space<vmem>> -> memref<128xi32, #tpu.memory_space<vmem>>
          %dma_start3A_47 = arith.constant 0 : i32
          %dma_start3A_48 = arith.constant 0 : i32
          %dma_start3A_49 = tpu.memref_slice %arg10[%dma_start3A_47, %dma_start3A_48] : memref<10240x128xf32, #tpu.memory_space<vmem_shared>> -> memref<10240x128xf32, #tpu.memory_space<vmem_shared>>
          tpu.enqueue_indirect_dma source(%arg8 : memref<128x128xf32, #tpu.memory_space<vmem>>) target(%dma_start3A_49 : memref<10240x128xf32, #tpu.memory_space<vmem_shared>>) offsets(%dma_start3A_46 : memref<128xi32, #tpu.memory_space<vmem>>) semaphore(%run_scoped3A : memref<!tpu.dma_semaphore, #tpu.memory_space<semaphore_mem>>) {add = true}
          %dma_wait3A_50 = arith.constant 0 : i32
          %dma_wait3A_51 = tpu.memref_slice %arg7[%scan3A_31, %dma_wait3A_50] : memref<112x128xi32, #tpu.memory_space<vmem>> -> memref<1x128xi32, #tpu.memory_space<vmem>>
          %dma_wait3A_52 = tpu.memref_squeeze %dma_wait3A_51 : memref<1x128xi32, #tpu.memory_space<vmem>> -> memref<128xi32, #tpu.memory_space<vmem>>
          %dma_wait3A_53 = arith.constant 0 : i32
          %dma_wait3A_54 = arith.constant 0 : i32
          %dma_wait3A_55 = tpu.memref_slice %arg10[%dma_wait3A_53, %dma_wait3A_54] : memref<10240x128xf32, #tpu.memory_space<vmem_shared>> -> memref<10240x128xf32, #tpu.memory_space<vmem_shared>>
          tpu.wait_indirect_dma semaphore(%run_scoped3A : memref<!tpu.dma_semaphore, #tpu.memory_space<semaphore_mem>>) src(%arg8 : memref<128x128xf32, #tpu.memory_space<vmem>>) dst(%dma_wait3A_55 : memref<10240x128xf32, #tpu.memory_space<vmem_shared>>)
          tpu.yield
        }) : () -> ()
        %scan3A_43 = arith.constant 0 : i32
        scf.yield %scan3A_43 : i32
      }
      %scan3A_30 = arith.constant 112 : i32
    } else {
    }
    %eq3A_18 = arith.constant 0 : i32
    %eq3A_19 = arith.cmpi eq, %arg0, %eq3A_18 : i32
    %convert_element_type3A_20 = arith.extui %eq3A_19 : i1 to i32
    %cond3A_21 = arith.constant 0 : i32
    %cond3A_22 = arith.cmpi ne, %convert_element_type3A_20, %cond3A_21 : i32
    scf.if %cond3A_22 {
      %scan3A_24 = arith.constant 0 : i32
      %scan3A_25 = arith.constant 0 : i32
      %scan3A_26 = arith.constant 46 : i32
      %scan3A_27 = arith.addi %scan3A_25, %scan3A_26 : i32
      %scan3A_28 = arith.constant 1 : i32
      %scan3A_29 = scf.for %scan3A_31 = %scan3A_25 to %scan3A_27 step %scan3A_28 iter_args(%scan3A_32 = %scan3A_24) -> (i32)  : i32 {
        %dma_start3A = arith.constant 0 : i32
        %dma_start3A_33 = tpu.memref_slice %arg6[%scan3A_31, %dma_start3A] : memref<112x128xi32, #tpu.memory_space<vmem>> -> memref<1x128xi32, #tpu.memory_space<vmem>>
        %dma_start3A_34 = tpu.memref_squeeze %dma_start3A_33 : memref<1x128xi32, #tpu.memory_space<vmem>> -> memref<128xi32, #tpu.memory_space<vmem>>
        %dma_start3A_35 = arith.constant 0 : i32
        %dma_start3A_36 = arith.constant 0 : i32
        %dma_start3A_37 = tpu.memref_slice %arg2[%dma_start3A_35, %dma_start3A_36] : memref<5000x128xf32, #tpu.memory_space<hbm>> -> memref<5000x128xf32, #tpu.memory_space<hbm>>
        tpu.enqueue_indirect_dma source(%dma_start3A_37 : memref<5000x128xf32, #tpu.memory_space<hbm>>) target(%arg8 : memref<128x128xf32, #tpu.memory_space<vmem>>) offsets(%dma_start3A_34 : memref<128xi32, #tpu.memory_space<vmem>>) semaphore(%arg11 : memref<!tpu.dma_semaphore, #tpu.memory_space<semaphore_mem>>)
        %dma_wait3A = arith.constant 0 : i32
        %dma_wait3A_38 = tpu.memref_slice %arg6[%scan3A_31, %dma_wait3A] : memref<112x128xi32, #tpu.memory_space<vmem>> -> memref<1x128xi32, #tpu.memory_space<vmem>>
        %dma_wait3A_39 = tpu.memref_squeeze %dma_wait3A_38 : memref<1x128xi32, #tpu.memory_space<vmem>> -> memref<128xi32, #tpu.memory_space<vmem>>
        %dma_wait3A_40 = arith.constant 0 : i32
        %dma_wait3A_41 = arith.constant 0 : i32
        %dma_wait3A_42 = tpu.memref_slice %arg2[%dma_wait3A_40, %dma_wait3A_41] : memref<5000x128xf32, #tpu.memory_space<hbm>> -> memref<5000x128xf32, #tpu.memory_space<hbm>>
        tpu.wait_indirect_dma semaphore(%arg11 : memref<!tpu.dma_semaphore, #tpu.memory_space<semaphore_mem>>) src(%dma_wait3A_42 : memref<5000x128xf32, #tpu.memory_space<hbm>>) dst(%arg8 : memref<128x128xf32, #tpu.memory_space<vmem>>)
        "tpu.region"() ({
          %run_scoped3A = tpu.sem_alloc : memref<!tpu.dma_semaphore, #tpu.memory_space<semaphore_mem>>
          %dma_start3A_44 = arith.constant 0 : i32
          %dma_start3A_45 = tpu.memref_slice %arg7[%scan3A_31, %dma_start3A_44] : memref<112x128xi32, #tpu.memory_space<vmem>> -> memref<1x128xi32, #tpu.memory_space<vmem>>
          %dma_start3A_46 = tpu.memref_squeeze %dma_start3A_45 : memref<1x128xi32, #tpu.memory_space<vmem>> -> memref<128xi32, #tpu.memory_space<vmem>>
          %dma_start3A_47 = arith.constant 0 : i32
          %dma_start3A_48 = arith.constant 0 : i32
          %dma_start3A_49 = tpu.memref_slice %arg10[%dma_start3A_47, %dma_start3A_48] : memref<10240x128xf32, #tpu.memory_space<vmem_shared>> -> memref<10240x128xf32, #tpu.memory_space<vmem_shared>>
          tpu.enqueue_indirect_dma source(%arg8 : memref<128x128xf32, #tpu.memory_space<vmem>>) target(%dma_start3A_49 : memref<10240x128xf32, #tpu.memory_space<vmem_shared>>) offsets(%dma_start3A_46 : memref<128xi32, #tpu.memory_space<vmem>>) semaphore(%run_scoped3A : memref<!tpu.dma_semaphore, #tpu.memory_space<semaphore_mem>>) {add = true}
          %dma_wait3A_50 = arith.constant 0 : i32
          %dma_wait3A_51 = tpu.memref_slice %arg7[%scan3A_31, %dma_wait3A_50] : memref<112x128xi32, #tpu.memory_space<vmem>> -> memref<1x128xi32, #tpu.memory_space<vmem>>
          %dma_wait3A_52 = tpu.memref_squeeze %dma_wait3A_51 : memref<1x128xi32, #tpu.memory_space<vmem>> -> memref<128xi32, #tpu.memory_space<vmem>>
          %dma_wait3A_53 = arith.constant 0 : i32
          %dma_wait3A_54 = arith.constant 0 : i32
          %dma_wait3A_55 = tpu.memref_slice %arg10[%dma_wait3A_53, %dma_wait3A_54] : memref<10240x128xf32, #tpu.memory_space<vmem_shared>> -> memref<10240x128xf32, #tpu.memory_space<vmem_shared>>
          tpu.wait_indirect_dma semaphore(%run_scoped3A : memref<!tpu.dma_semaphore, #tpu.memory_space<semaphore_mem>>) src(%arg8 : memref<128x128xf32, #tpu.memory_space<vmem>>) dst(%dma_wait3A_55 : memref<10240x128xf32, #tpu.memory_space<vmem_shared>>)
          tpu.yield
        }) : () -> ()
        %scan3A_43 = arith.constant 0 : i32
        scf.yield %scan3A_43 : i32
      }
      %scan3A_30 = arith.constant 46 : i32
    } else {
    }
    %barrier3A_23 = arith.constant 0 : index
    tpu.barrier barrier_id(%barrier3A_23)
    "tpu.region"() ({
      %run_scoped3A = tpu.sem_alloc : memref<!tpu.dma_semaphore, #tpu.memory_space<semaphore_mem>>
      %dma_start3A = arith.constant 0 : i32
      %dma_start3A_24 = tpu.memref_slice %arg5[%arg0, %mul3A_2, %dma_start3A] : memref<2x10240x128xf32, #tpu.memory_space<hbm>> -> memref<1x640x128xf32, #tpu.memory_space<hbm>>
      %dma_start3A_25 = tpu.memref_squeeze %dma_start3A_24 : memref<1x640x128xf32, #tpu.memory_space<hbm>> -> memref<640x128xf32, #tpu.memory_space<hbm>>
      %dma_start3A_26 = arith.constant 0 : i32
      %dma_start3A_27 = tpu.memref_slice %arg10[%mul3A_2, %dma_start3A_26] : memref<10240x128xf32, #tpu.memory_space<vmem_shared>> -> memref<640x128xf32, #tpu.memory_space<vmem_shared>>
      tpu.enqueue_dma source(%dma_start3A_27 : memref<640x128xf32, #tpu.memory_space<vmem_shared>>) target(%dma_start3A_25 : memref<640x128xf32, #tpu.memory_space<hbm>>) target_semaphore(%run_scoped3A : memref<!tpu.dma_semaphore, #tpu.memory_space<semaphore_mem>>)
      %dma_wait3A = arith.constant 0 : i32
      %dma_wait3A_28 = tpu.memref_slice %arg5[%arg0, %mul3A_2, %dma_wait3A] : memref<2x10240x128xf32, #tpu.memory_space<hbm>> -> memref<1x640x128xf32, #tpu.memory_space<hbm>>
      %dma_wait3A_29 = tpu.memref_squeeze %dma_wait3A_28 : memref<1x640x128xf32, #tpu.memory_space<hbm>> -> memref<640x128xf32, #tpu.memory_space<hbm>>
      %dma_wait3A_30 = arith.constant 0 : i32
      %dma_wait3A_31 = tpu.memref_slice %arg10[%mul3A_2, %dma_wait3A_30] : memref<10240x128xf32, #tpu.memory_space<vmem_shared>> -> memref<640x128xf32, #tpu.memory_space<vmem_shared>>
      tpu.wait_dma2 semaphore(%run_scoped3A : memref<!tpu.dma_semaphore, #tpu.memory_space<semaphore_mem>>) src(%dma_wait3A_31 : memref<640x128xf32, #tpu.memory_space<vmem_shared>>) dst(%dma_wait3A_29 : memref<640x128xf32, #tpu.memory_space<hbm>>)
      tpu.yield
    }) : () -> ()
    return
  }
}

module attributes {stable_mosaic.version = 14 : i64} {
  func.func @mm(%arg0: i32, %arg1: memref<1000x128xf32, #tpu.memory_space<vmem>>, %arg2: memref<128x128xf32, #tpu.memory_space<vmem>>, %arg3: memref<1000x128xf32, #tpu.memory_space<vmem>>) attributes {dimension_semantics = [#tpu.dimension_semantics<arbitrary>], iteration_bounds = array<i64: 10>, scalar_prefetch = 0 : i64, scratch_operands = 0 : i64, tpu.core_type = #tpu.core_type<tc>, window_params = [{transform_indices = @transform_0, window_bounds = array<i64: 1000, 128>}, {pipeline_mode = #tpu.pipeline_mode<synchronous>, transform_indices = @transform_1, window_bounds = array<i64: 128, 128>}, {transform_indices = @transform_2, window_bounds = array<i64: 1000, 128>}]} {
    %get3A = arith.constant 0 : index
    %get3A_0 = arith.constant 0 : index
    %get3A_1 = vector.load %arg1[%get3A, %get3A_0] : memref<1000x128xf32, #tpu.memory_space<vmem>>, vector<1000x128xf32>
    %get3A_2 = arith.constant 0 : index
    %get3A_3 = arith.constant 0 : index
    %get3A_4 = vector.load %arg2[%get3A_2, %get3A_3] : memref<128x128xf32, #tpu.memory_space<vmem>>, vector<128x128xf32>
    %dot_general3A = arith.constant dense<0.000000e+00> : vector<1000x128xf32>
    %dot_general3A_5 = tpu.matmul %get3A_1, %get3A_4, %dot_general3A {dimension_numbers = #tpu.dot_dimension_numbers<[1], [0], [0], [1], [0, 0, 1, 1], [], []>, transpose_lhs_hint = false} : vector<1000x128xf32>, vector<128x128xf32>, vector<1000x128xf32> -> vector<1000x128xf32>
    %swap3A = arith.constant 0 : index
    %swap3A_6 = arith.constant 0 : index
    %swap3A_7 = vector.load %arg3[%swap3A, %swap3A_6] : memref<1000x128xf32, #tpu.memory_space<vmem>>, vector<1000x128xf32>
    tpu.vector_store %arg3[%swap3A, %swap3A_6], %dot_general3A_5 {strides = array<i32>} : memref<1000x128xf32, #tpu.memory_space<vmem>>, vector<1000x128xf32>,
    return
  }
  func.func @transform_0(%arg0: i32) -> (i32, i32) {
    %c0_i32 = arith.constant 0 : i32
    %c0_i32_0 = arith.constant 0 : i32
    return %arg0, %c0_i32 : i32, i32
  }
  func.func @transform_1(%arg0: i32) -> (i32, i32) {
    %c0_i32 = arith.constant 0 : i32
    %c0_i32_0 = arith.constant 0 : i32
    %c0_i32_1 = arith.constant 0 : i32
    return %c0_i32, %c0_i32_0 : i32, i32
  }
  func.func @transform_2(%arg0: i32) -> (i32, i32) {
    %c0_i32 = arith.constant 0 : i32
    %c0_i32_0 = arith.constant 0 : i32
    return %arg0, %c0_i32 : i32, i32
  }
}

module attributes {stable_mosaic.version = 14 : i64} {
  func.func @f(%arg0: i32, %arg1: memref<1000x128xf32, #tpu.memory_space<vmem>>, %arg2: memref<1000x128xf32, #tpu.memory_space<vmem>>, %arg3: memref<1000x1xf32, #tpu.memory_space<vmem>>, %arg4: memref<1000x1xf32, #tpu.memory_space<vmem>>, %arg5: memref<1000x128xf32, #tpu.memory_space<vmem>>) attributes {dimension_semantics = [#tpu.dimension_semantics<arbitrary>], iteration_bounds = array<i64: 5>, scalar_prefetch = 0 : i64, scratch_operands = 0 : i64, tpu.core_type = #tpu.core_type<tc>, window_params = [{transform_indices = @transform_0, window_bounds = array<i64: 1000, 128>}, {transform_indices = @transform_1, window_bounds = array<i64: 1000, 128>}, {transform_indices = @transform_2, window_bounds = array<i64: 1000, 1>}, {transform_indices = @transform_3, window_bounds = array<i64: 1000, 1>}, {transform_indices = @transform_4, window_bounds = array<i64: 1000, 128>}]} {
    %get3A = arith.constant 0 : index
    %get3A_0 = arith.constant 0 : index
    %get3A_1 = vector.load %arg1[%get3A, %get3A_0] : memref<1000x128xf32, #tpu.memory_space<vmem>>, vector<1000x128xf32>
    %get3A_2 = arith.constant 0 : index
    %get3A_3 = arith.constant 0 : index
    %get3A_4 = vector.load %arg2[%get3A_2, %get3A_3] : memref<1000x128xf32, #tpu.memory_space<vmem>>, vector<1000x128xf32>
    %add3A = arith.addf %get3A_1, %get3A_4 : vector<1000x128xf32>
    %get3A_5 = arith.constant 0 : index
    %get3A_6 = arith.constant 0 : index
    %get3A_7 = vector.load %arg3[%get3A_5, %get3A_6] : memref<1000x1xf32, #tpu.memory_space<vmem>>, vector<1000x1xf32>
    %mul3A = vector.broadcast %get3A_7 : vector<1000x1xf32> to vector<1000x128xf32>
    %mul3A_8 = arith.mulf %add3A, %mul3A : vector<1000x128xf32>
    %get3A_9 = arith.constant 0 : index
    %get3A_10 = arith.constant 0 : index
    %get3A_11 = vector.load %arg4[%get3A_9, %get3A_10] : memref<1000x1xf32, #tpu.memory_space<vmem>>, vector<1000x1xf32>
    %mul3A_12 = vector.broadcast %get3A_11 : vector<1000x1xf32> to vector<1000x128xf32>
    %mul3A_13 = arith.mulf %mul3A_8, %mul3A_12 : vector<1000x128xf32>
    %swap3A = arith.constant 0 : index
    %swap3A_14 = arith.constant 0 : index
    %swap3A_15 = vector.load %arg5[%swap3A, %swap3A_14] : memref<1000x128xf32, #tpu.memory_space<vmem>>, vector<1000x128xf32>
    tpu.vector_store %arg5[%swap3A, %swap3A_14], %mul3A_13 {strides = array<i32>} : memref<1000x128xf32, #tpu.memory_space<vmem>>, vector<1000x128xf32>,
    return
  }
  func.func @transform_0(%arg0: i32) -> (i32, i32) {
    %c0_i32 = arith.constant 0 : i32
    %c0_i32_0 = arith.constant 0 : i32
    return %arg0, %c0_i32 : i32, i32
  }
  func.func @transform_1(%arg0: i32) -> (i32, i32) {
    %c0_i32 = arith.constant 0 : i32
    %c0_i32_0 = arith.constant 0 : i32
    return %arg0, %c0_i32 : i32, i32
  }
  func.func @transform_2(%arg0: i32) -> (i32, i32) {
    %c0_i32 = arith.constant 0 : i32
    %c0_i32_0 = arith.constant 0 : i32
    return %arg0, %c0_i32 : i32, i32
  }
  func.func @transform_3(%arg0: i32) -> (i32, i32) {
    %c0_i32 = arith.constant 0 : i32
    %c0_i32_0 = arith.constant 0 : i32
    return %arg0, %c0_i32 : i32, i32
  }
  func.func @transform_4(%arg0: i32) -> (i32, i32) {
    %c0_i32 = arith.constant 0 : i32
    %c0_i32_0 = arith.constant 0 : i32
    return %arg0, %c0_i32 : i32, i32
  }
}

module attributes {stable_mosaic.version = 14 : i64} {
  func.func @f(%arg0: i32, %arg1: memref<1000x128xf32, #tpu.memory_space<vmem>>, %arg2: memref<1000x128xf32, #tpu.memory_space<vmem>>, %arg3: memref<1000x1xf32, #tpu.memory_space<vmem>>, %arg4: memref<1000x128xf32, #tpu.memory_space<vmem>>) attributes {dimension_semantics = [#tpu.dimension_semantics<arbitrary>], iteration_bounds = array<i64: 10>, scalar_prefetch = 0 : i64, scratch_operands = 0 : i64, tpu.core_type = #tpu.core_type<tc>, window_params = [{transform_indices = @transform_0, window_bounds = array<i64: 1000, 128>}, {transform_indices = @transform_1, window_bounds = array<i64: 1000, 128>}, {transform_indices = @transform_2, window_bounds = array<i64: 1000, 1>}, {transform_indices = @transform_3, window_bounds = array<i64: 1000, 128>}]} {
    %get3A = arith.constant 0 : index
    %get3A_0 = arith.constant 0 : index
    %get3A_1 = vector.load %arg1[%get3A, %get3A_0] : memref<1000x128xf32, #tpu.memory_space<vmem>>, vector<1000x128xf32>
    %get3A_2 = arith.constant 0 : index
    %get3A_3 = arith.constant 0 : index
    %get3A_4 = vector.load %arg2[%get3A_2, %get3A_3] : memref<1000x128xf32, #tpu.memory_space<vmem>>, vector<1000x128xf32>
    %add3A = arith.addf %get3A_1, %get3A_4 : vector<1000x128xf32>
    %get3A_5 = arith.constant 0 : index
    %get3A_6 = arith.constant 0 : index
    %get3A_7 = vector.load %arg3[%get3A_5, %get3A_6] : memref<1000x1xf32, #tpu.memory_space<vmem>>, vector<1000x1xf32>
    %mul3A = vector.broadcast %get3A_7 : vector<1000x1xf32> to vector<1000x128xf32>
    %mul3A_8 = arith.mulf %add3A, %mul3A : vector<1000x128xf32>
    %swap3A = arith.constant 0 : index
    %swap3A_9 = arith.constant 0 : index
    %swap3A_10 = vector.load %arg4[%swap3A, %swap3A_9] : memref<1000x128xf32, #tpu.memory_space<vmem>>, vector<1000x128xf32>
    tpu.vector_store %arg4[%swap3A, %swap3A_9], %mul3A_8 {strides = array<i32>} : memref<1000x128xf32, #tpu.memory_space<vmem>>, vector<1000x128xf32>,
    return
  }
  func.func @transform_0(%arg0: i32) -> (i32, i32) {
    %c0_i32 = arith.constant 0 : i32
    %c0_i32_0 = arith.constant 0 : i32
    return %arg0, %c0_i32 : i32, i32
  }
  func.func @transform_1(%arg0: i32) -> (i32, i32) {
    %c0_i32 = arith.constant 0 : i32
    %c0_i32_0 = arith.constant 0 : i32
    return %arg0, %c0_i32 : i32, i32
  }
  func.func @transform_2(%arg0: i32) -> (i32, i32) {
    %c0_i32 = arith.constant 0 : i32
    %c0_i32_0 = arith.constant 0 : i32
    return %arg0, %c0_i32 : i32, i32
  }
  func.func @transform_3(%arg0: i32) -> (i32, i32) {
    %c0_i32 = arith.constant 0 : i32
    %c0_i32_0 = arith.constant 0 : i32
    return %arg0, %c0_i32 : i32, i32
  }
}

</mosaic_0001>

<sc_bundles>
// kernel: kernel.10.cloned.1.call-start
scs
__scs_entry_jumppad:
0x0: {  	(pc) =	sbr.rel $0x88, $3  }
0x1: {  	(tag) =	ssettag $0x0;
	lr =	simm.s32 $0x1  }
0x2: {  	[smem:$0x3F9A] =	sst lr;
	_ =	strace $0xD0000000  }
0x3: {  	_ = 	snop  }
0x4: {  	_ = 	snop  }
0x5: {  	_ = 	snop  }
0x6: {  	_ = 	snop  }
0x7: {  	_ = 	snop  }
__scs_overlays_trampoline_lowered:
0x8: {  	[smem:$0x3FA9] =	sst s0  }
0x9: {  	[smem:$0x3FAA] =	sst s1  }
0xa: {  	[smem:$0x3FAB] =	sst s2  }
0xb: {  	[smem:$0x3FAC] =	sst s3  }
0xc: {  	[smem:$0x3FAD] =	sst s4  }
0xd: {  	[smem:$0x3FAE] =	sst s5  }
0xe: {  	[smem:$0x3FAF] =	sst s6  }
0xf: {  	[smem:$0x3FB0] =	sst s7  }
0x10: {  	[smem:$0x3FB1] =	sst s8  }
0x11: {  	[smem:$0x3FB2] =	sst s9;
	s0 =	simm.s32 @!p0 $0x0  }
0x12: {  	s1 =	sld [smem:$0x3F98];
	s0 =	simm.s32 @p0 $0x1  }
0x13: {  	[smem:$0x3FB3] =	sst s0;
	s0 =	simm.s32 @!p1 $0x0  }
0x14: {  	s2 =	sld [smem:$0x3F97];
	s0 =	simm.s32 @p1 $0x1  }
0x15: {  	[smem:$0x3FB4] =	sst s0;
	s0 =	simm.s32 @!p2 $0x0  }
0x16: {  	s3 =	sld [smem:$0x3FDB];
	s0 =	simm.s32 @p2 $0x1  }
0x17: {  	s4 =	simm.s32 $0x1BF5;
	[smem:$0x3FB6] =	sst s0  }
0x18: {  	s0 =	sld [smem:$0x3F99];
	_ =	swait.ge [sflag:s4], $0x0  }
0x19: {  	s7 =	sld [smem:$0x3F9A]  }
0x1a: {  	s8 =	sadd.s32 $0xFFFFE003, lr  }
0x1b: {  	s9 =	sadd.s32 $0xFFFFFEF7, lr;
	s5 =	simm.s32 $0xFFFFFFFF;
	p2 =	slt.u32 s8, $0xFFFFF086  }
0x1c: {  	p1 =	slt.u32 s9, $0xF7A;
	s5 =	simm.s32 @!p2 $0x0  }
0x1d: {  	s5 =	simm.s32 @p1 $0x1;
	p0 =	seq.s32 s7, s2  }
0x1e: {  	s7 =	smul.u32 @!p0 $0xF7A, s2;
	p2 =	seq.s32 @!p0 s5, $0x0  }
0x1f: {  	s9 =	smul.u32 $0xF7A, s1;
	s8 =	simm.s32 @!p0 $0x1BF5;
	p2 =	por !p2, p0  }
0x20: {  	[sflag:s8] =	ssyncset.s32 @!p0 $0xFFFFF086;
	s6 =	sadd.s32 @!p0 s3, s7;
	s7 =	simm.s32 @!p0 $0x108  }
0x21: {  	s3 =	sadd.s32 s3, s9;
	s6 =	sadd.s32 @!p0 $0x88, s6;
	s7 =	simm.s32 @p2 $0x1082  }
0x22: {  	[simem:s7], [sflag:s8] =	dma.local @!p0 [hbm:s6], $0xF7A  }
0x23: {  	s9 =	sor.u32 $0xD0000000, s2;
	s6 =	simm.s32 $0x108;
	_ =	swait.ge @!p0 [sflag:s8], $0x0  }
0x24: {  	s3 =	sadd.s32 $0x88, s3;
	s6 =	simm.s32 @!p1 $0x1082;
	[sflag:s4] =	ssyncset.s32 $0xFFFFF086  }
0x25: {  	[simem:s6], [sflag:s4] =	dma.local [hbm:s3], $0xF7A  }
0x26: {  	[smem:$0x3F9A] =	sst s1;
	(tag) =	ssettag s2;
	_ =	strace s9  }
0x27: {  	s1 =	sld [smem:$0x3FAA]  }
0x28: {  	s2 =	sld [smem:$0x3FAB]  }
0x29: {  	s4 =	sld [smem:$0x3FAD]  }
0x2a: {  	p0 =	seq.s32 s5, $0x0;
	s5 =	sld [smem:$0x3FAE]  }
0x2b: {  	s6 =	sld [smem:$0x3FAF]  }
0x2c: {  	s7 =	sld [smem:$0x3FB0]  }
0x2d: {  	s3 =	simm.s32 $0x108;
	s8 =	sld [smem:$0x3FB1]  }
0x2e: {  	s3 =	simm.s32 @!p0 $0x1082;
	s9 =	sld [smem:$0x3FB2]  }
0x2f: {  	lr =	sadd.s32 s0, s3;
	s0 =	sld [smem:$0x3FA9]  }
0x30: {  	s3 =	sld [smem:$0x3FAC]  }
0x31: {  	[smem:$0x3FB5] =	sst s10  }
0x32: {  	s10 =	sld [smem:$0x3FB3];
	_ =	sdelay $0x3  }
0x33: {  	p0 =	seq.s32 s10, $0x1;
	s10 =	sld [smem:$0x3FB5];
	_ =	sdelay $0x3  }
0x34: {  	[smem:$0x3FB5] =	sst s10  }
0x35: {  	s10 =	sld [smem:$0x3FB4];
	_ =	sdelay $0x3  }
0x36: {  	p1 =	seq.s32 s10, $0x1;
	s10 =	sld [smem:$0x3FB5];
	_ =	sdelay $0x3  }
0x37: {  	[smem:$0x3FB5] =	sst s10  }
0x38: {  	s10 =	sld [smem:$0x3FB6]  }
0x39: {  	_ = 	snop;
	(pc) =	sbr.ind lr, $3  }
0x3a: {  	_ = 	snop  }
0x3b: {  	_ = 	snop  }
0x3c: {  	p2 =	seq.s32 s10, $0x1;
	s10 =	sld [smem:$0x3FB5]  }
0x3d: {  	_ =	shalt  }
0x3e: {  	_ =	shalt  }
0x3f: {  	_ =	shalt  }
0x40: {  	_ =	shalt  }
0x41: {  	_ =	shalt  }
0x42: {  	_ =	shalt  }
0x43: {  	_ =	shalt  }
0x44: {  	_ =	shalt  }
0x45: {  	_ =	shalt  }
0x46: {  	_ =	shalt  }
0x47: {  	_ =	shalt  }
0x48: {  	_ =	shalt  }
0x49: {  	_ =	shalt  }
0x4a: {  	_ =	shalt  }
0x4b: {  	_ =	shalt  }
0x4c: {  	_ =	shalt  }
0x4d: {  	_ =	shalt  }
0x4e: {  	_ =	shalt  }
0x4f: {  	_ =	shalt  }
0x50: {  	_ =	shalt  }
0x51: {  	_ =	shalt  }
0x52: {  	_ =	shalt  }
0x53: {  	_ =	shalt  }
0x54: {  	_ =	shalt  }
0x55: {  	_ =	shalt  }
0x56: {  	_ =	shalt  }
0x57: {  	_ =	shalt  }
0x58: {  	_ =	shalt  }
0x59: {  	_ =	shalt  }
0x5a: {  	_ =	shalt  }
0x5b: {  	_ =	shalt  }
0x5c: {  	_ =	shalt  }
0x5d: {  	_ =	shalt  }
0x5e: {  	_ =	shalt  }
0x5f: {  	_ =	shalt  }
0x60: {  	_ =	shalt  }
0x61: {  	_ =	shalt  }
0x62: {  	_ =	shalt  }
0x63: {  	_ =	shalt  }
0x64: {  	_ =	shalt  }
0x65: {  	_ =	shalt  }
0x66: {  	_ =	shalt  }
0x67: {  	_ =	shalt  }
0x68: {  	_ =	shalt  }
0x69: {  	_ =	shalt  }
0x6a: {  	_ =	shalt  }
0x6b: {  	_ =	shalt  }
0x6c: {  	_ =	shalt  }
0x6d: {  	_ =	shalt  }
0x6e: {  	_ =	shalt  }
0x6f: {  	_ =	shalt  }
0x70: {  	_ =	shalt  }
0x71: {  	_ =	shalt  }
0x72: {  	_ =	shalt  }
0x73: {  	_ =	shalt  }
0x74: {  	_ =	shalt  }
0x75: {  	_ =	shalt  }
0x76: {  	_ =	shalt  }
0x77: {  	_ =	shalt  }
0x78: {  	_ =	shalt  }
0x79: {  	_ =	shalt  }
0x7a: {  	_ =	shalt  }
0x7b: {  	_ =	shalt  }
0x7c: {  	_ =	shalt  }
0x7d: {  	_ =	shalt  }
0x7e: {  	_ =	shalt  }
0x7f: {  	_ =	shalt  }
0x80: {  	_ =	shalt  }
0x81: {  	_ =	shalt  }
0x82: {  	_ =	shalt  }
0x83: {  	_ =	shalt  }
0x84: {  	_ =	shalt  }
0x85: {  	_ =	shalt  }
0x86: {  	_ =	shalt  }
0x87: {  	_ =	shalt  }
.Lfunc_end0:
.L_simem_size_0:
called_computation.1_lowered:
.L_overlay_start_0:
0x88: {  	s2 =	sld [smem:$0x3FD9]  }
0x89: {  	s3 =	sld [smem:$0x3FFE];
	_ =	sdelay $0x1  }
0x8a: {  	s1 =	srdreg.scid  }
0x8b: {  	s0 =	sand.u32 $0x1, s1  }
0x8c: {  	s17 =	sshll.u32 s0, $0xA;
	s2 =	sadd.s32 s3, s2  }
0x8d: {  	s2 =	sadd.s32 s2, s17  }
0x8e: {  	[smem:$0x3FC1] =	sst s2  }
0x8f: {  	_ = 	snop  }
0x90: {  	s2 =	sld [smem:$0x3FD0];
	(tm) =	ssettm $0x1  }
0x91: {  	s18 =	sld [smem:$0x3FFB];
	_ =	sdelay $0x3  }
0x92: {  	_ =	strace s18  }
0x93: {  	s3 =	sld [smem:$0x3FFC];
	_ =	sdelay $0x3  }
0x94: {  	_ =	strace s3  }
0x95: {  	s3 =	sld [smem:$0x3FFD];
	_ =	sdelay $0x3  }
0x96: {  	_ =	strace s3  }
0x97: {  	_ =	strace $0x8FFFFFFF  }
0x98: {  	s19 =	sld [smem:$0x3FDB];
	_ =	sdelay $0x1  }
0x99: {  	s4 =	simm.s32 $_scs_section_size  }
0x9a: {  	s5 =	simm.s32 $_size__tile_overlayer_lowered;
	s6 =	simm.s32 $_tile_overlayer_lowered  }
0x9b: {  	s22 =	simm.s32 $0x1BFF;
	s21 =	sshll.u32 s6, $0x1;
	s3 =	sadd.s32 s4, s19  }
0x9c: {  	s7 =	simm.s32 $0x0;
	s20 =	sshll.u32 s5, $0x1;
	s5 =	sadd.s32 s21, s3  }
0x9d: {  	[timem:s7], [sflag:s22] =	dma.local [hbm:s5], s20  }
0x9e: {  	_ =	swait.ge [sflag:s22], s20  }
0x9f: {  	s4 =	ssub.s32 $0x0, s20;
	[sflag:s22] =	ssyncset.done $0x0  }
0xa0: {  	[sflag:s22] =	ssyncadd.s32 s4;
	_ =	sdelay $0x1  }
0xa1: {  	s23 =	simm.s32 $0x1B8B  }
0xa2: {  	_ =	swait.ge [sflag:s23], $0x1  }
0xa3: {  	[sflag:s23] =	ssyncset.done $0x0  }
0xa4: {  	s25 =	simm.s32 $0x1B8E;
	s24 =	sld [smem:$0x3FFE];
	[sflag:s23] =	ssyncadd.s32 $0xFFFFFFFF  }
0xa5: {  	s26 =	simm.s32 $execute0_lowered;
	[smem:$0x3FD2] =	sst s25  }
0xa6: {  	s5 =	sshll.u32 s26, $0x1;
	_ =	strace $0x80000049;
	[dreg:$0x1] =	wrdreg $0xFFFFFFFF  }
0xa7: {  	s28 =	simm.s32 $_size_execute0_lowered;
	s3 =	sadd.s32 s3, s5;
	[dreg:$0x0] =	wrdreg $0x0  }
0xa8: {  	s5 =	sshll.u32 s28, $0x1;
	[dreg:$0x2] =	wrdreg s3  }
0xa9: {  	[dreg:$0x3] =	wrdreg s5  }
0xaa: {  	[dreg:$0x4] =	wrdreg $0xC0  }
0xab: {  	_ =	task [dreg:s7], $0x5FFFF  }
0xac: {  	[dreg:$0x1] =	wrdreg $0xFFFFFFFF  }
0xad: {  	[dreg:$0x0] =	wrdreg $0x60  }
0xae: {  	[dreg:$0x2] =	wrdreg s2  }
0xaf: {  	[dreg:$0x3] =	wrdreg s24  }
0xb0: {  	[dreg:$0x4] =	wrdreg $0xC0000  }
0xb1: {  	[dreg:$0x5] =	wrdreg $0x9  }
0xb2: {  	_ =	task.clear_ibuf [dreg:s7], $0x6FFFF;
	_ =	strace $0x90000049  }
0xb3: {  	s29 =	simm.s32 $0x9;
	_ =	strace $0x8000004B  }
0xb4: {  	_ =	swait.ge [sflag:s29], $0x1  }
0xb5: {  	[sflag:s29] =	ssyncadd.s32 $0xFFFFFFFF  }
0xb6: {  	_ =	strace $0x9000004B  }
0xb7: {  	_ =	sfence  }
0xb8: {  	s30 =	sld [smem:$0x0];
	_ =	sdelay $0x2  }
0xb9: {  	s31 =	sshll.u32 s1, $0xD;
	s1 =	sshrl.u32 s1, $0x2  }
0xba: {  	s3 =	sand.u32 $0x4000, s31;
	s1 =	sadd.s32 s1, s30  }
0xbb: {  	s0 =	sor.u32 s3, s0;
	s1 =	sshll.u32 s1, $0x11  }
0xbc: {  	s0 =	sor.u32 s1, s0  }
0xbd: {  	s0 =	sadd.s32 $0x8F2B, s0  }
0xbe: {  	[sflag:s0] =	ssyncadd.remote.s32 $0x1  }
0xbf: {  	_ =	sfence.sel $0xFFFF  }
0xc0: {  	[dreg:$0x0] =	wrdreg $0xFFFFFFFF;
	(pc) =	sbr.abs _section_cstart, $3  }
0xc1: {  	[dreg:$0x1] =	wrdreg $0xFFFFFFFF  }
0xc2: {  	_ =	task.clear_ibuf [dreg:s7], $0x2FFFF;
	_ =	strace $0x9FFFFFFF  }
0xc3: {  	(tm) =	ssettm $0x7FFFFFFF  }
tec
execute0_lowered:
.L_overlay_start_1:
0x0: {  	(tag) =	ssettag $0x1  }
0x1: {  	s1 =	rddreg [dreg:$0x0]  }
0x2: {  	s0 =	srdreg.scid;
	s5 =	rddreg [dreg:$0x1]  }
0x3: {  	s8 =	stileid.u32;
	s3 =	rddreg [dreg:$0x2]  }
0x4: {  	s4 =	simm.s32 $0x0;
	s30 =	simm.s32 $0xB000;
	s31 =	simm.s32 $0x2  }
0x5: {  	s0 =	sand.u32 $0x1, s0;
	s2 =	sshll.u32 s8, $0x1;
	s7 =	smul.u32 $0x14000, s8  }
0x6: {  	[smem:$0x7FF] =	sst s4;
	s8 =	smul.u32 $0x50000, s8;
	s2 =	sor.u32 s0, s2  }
0x7: {  	s6 =	smul.u32 $0x140000, s0;
	_ =	strace $0x8000004A;
	s22 =	ssub.s32 $0x2, s0  }
0x8: {  	p0 =	seq.s32 s0, $0x1;
	s2 =	smul.u32 $0x700, s2;
	s9 =	sshrl.u32 s22, $0x1  }
0x9: {  	s0 =	simm.s32 $0x80;
	s6 =	sadd.s32 s7, s6;
	s7 =	ssub.s32 s22, s9  }
0xa: {  	s8 =	sshrl.u32 s8, $0x2;
	s2 =	sadd.s32 s2, s5;
	s25 =	smax.u32 s7, $0x1  }
0xb: {  	s6 =	sshrl.u32 s6, $0x3;
	s23 =	sadd.s32 $0x47600, s2;
	[dreg:$0x7] =	wrdreg s25  }
0xc: {  	s6 =	sadd.s32 s6, s5;
	s2 =	sadd.s32 $0x55600, s2;
	[dreg:$0x4] =	wrdreg s23  }
0xd: {  	s5 =	sadd.s32 s8, s3;
	[dreg:$0x5] =	wrdreg s2;
	s24 =	sadd.s32 $0x63600, s6  }
0xe: {  	s26 =	sadd.s32 $0x1000, s5;
	s11 =	sadd.s32 $0x2000, s5;
	s12 =	sadd.s32 $0x3000, s5  }
0xf: {  	s13 =	sadd.s32 $0x4000, s5;
	s14 =	sadd.s32 $0x5000, s5;
	s15 =	sadd.s32 $0x6000, s5  }
0x10: {  	s16 =	sadd.s32 $0x7000, s5;
	s17 =	sadd.s32 $0x8000, s5;
	s18 =	sadd.s32 $0x9000, s5  }
.Ltmp0:
0x11: {  	s19 =	sadd.s32 $0xA000, s5;
	s20 =	sadd.s32 $0xB000, s5;
	(pc) =	sbr.rel .LBB2_1-.Ltmp0, $4  }
0x12: {  	s21 =	sadd.s32 $0xC000, s5;
	s22 =	sadd.s32 $0xD000, s5;
	s23 =	sadd.s32 $0xE000, s5  }
0x13: {  	s25 =	sadd.s32 $0x10000, s5;
	s28 =	sadd.s32 $0x12000, s5;
	s29 =	sadd.s32 $0x13000, s5  }
0x14: {  	s2 =	simm.s32 $0x7000;
	s6 =	simm.s32 $0x1;
	[dreg:$0x6] =	wrdreg s24  }
0x15: {  	v0 =	vimm.f32 $0.0e+00;
	[dreg:$0x8] =	wrdreg s26;
	s24 =	sadd.s32 $0xF000, s5;
	s26 =	sadd.s32 $0x11000, s5  }
.LBB2_9:
0x16: {  	s7 =	sshra.s32 s7, $0x2;
	[sflag:s31] =	ssyncadd.s32 $0xFFFFC000  }
0x17: {  	[tilespmem:s2], [sflag:$0x1] =	stream.indirect.gather [hbm4b:s1+s0], $0x80, s7, s0, $0xb8;
	v63 =	vld [tilespmem:$0x0]  }
0x18: {  	_ =	swait.ge [sflag:s6], $0x4000  }
0x19: {  	[sflag:s6] =	ssyncset.done $0x0  }
0x1a: {  	s7 =	sadd.s32 $0x3800, s7;
	[sflag:s6] =	ssyncadd.s32 $0xFFFFC000  }
0x1b: {  	[spmem:s3] =	stream.indirect.scatter.add.f32 [tilespmem:s2], [sflag:$0x2], $0x80, s7, s0, $0xb8;
	v63 =	vld [tilespmem:$0x0]  }
0x1c: {  	_ =	swait.ge [sflag:s31], $0x4000  }
0x1d: {  	[sflag:s31] =	ssyncset.done $0x0  }
0x1e: {  	[sflag:s31] =	ssyncadd.s32 $0xFFFFC000  }
.LBB2_10:
0x1f: {  	s7 =	stileid.u32  }
0x20: {  	[bflag:$0x0] =	sbarrier.arrive $0xFFFF;
	s7 =	sshll.u32 s7, $0x6  }
0x21: {  	s8 =	sshrl.u32 s5, $0x3;
	s9 =	rddreg [dreg:$0x6];
	s7 =	sor.u32 $0x1C02, s7  }
0x22: {  	[hbm:s9], [sflag:s7] =	dma.local [spmem:s8], $0x2800  }
0x23: {  	_ =	swait.ge [sflag:s31], $0x2800  }
0x24: {  	s4 =	sadd.s32 $0x1, s4;
	s10 =	rddreg [dreg:$0x7]  }
0x25: {  	p1 =	sne.s32 s4, s10  }
.Ltmp1:
0x26: {  	_ = 	snop;
	(pc) =	sbr.rel @!p1 .LBB2_11-.Ltmp1, $3  }
0x27: {  	_ =	sdelay $0x1  }
0x28: {  	[sflag:s31] =	ssyncset.done $0x0  }
0x29: {  	[sflag:s31] =	ssyncadd.s32 $0xFFFFD800  }
.LBB2_1:
0x2a: {  	s7 =	simm.s32 $0x0;
	s8 =	simm.s32 $0x200  }
.LBB2_2:
0x2b: {  	p1 =	sne.s32 s8, $0x3E00;
	[tilespmem:s7+$0xB070] =	vst v0  }
0x2c: {  	[tilespmem:s7+$0xB000] =	vst v0  }
0x2d: {  	[tilespmem:s7+$0xB010] =	vst v0  }
.Ltmp2:
0x2e: {  	[tilespmem:s7+$0xB020] =	vst v0;
	(pc) =	sbr.rel @p1 .LBB2_2-.Ltmp2, $4  }
0x2f: {  	[tilespmem:s7+$0xB030] =	vst v0  }
0x30: {  	[tilespmem:s7+$0xB040] =	vst v0  }
0x31: {  	[tilespmem:s7+$0xB050] =	vst v0  }
0x32: {  	[tilespmem:s7+$0xB060] =	vst v0;
	s7 =	sshra.s32 s8, $0x2;
	s8 =	sadd.s32 $0x200, s8  }
0x33: {  	[tilespmem:s7+$0xB070] =	vst v0  }
0x34: {  	[tilespmem:s7+$0xB000] =	vst v0  }
0x35: {  	[tilespmem:s7+$0xB010] =	vst v0  }
0x36: {  	[tilespmem:s7+$0xB020] =	vst v0  }
0x37: {  	[tilespmem:s7+$0xB030] =	vst v0  }
0x38: {  	[tilespmem:s7+$0xB040] =	vst v0  }
0x39: {  	[tilespmem:s7+$0xB050] =	vst v0  }
0x3a: {  	[tilespmem:s7+$0xB060] =	vst v0  }
0x3b: {  	[spmem:s5] =	stream.linear.scatter [tilespmem:s30], [sflag:$0x2], $0x1000, $0x38;
	v63 =	vld [tilespmem:$0x0]  }
0x3c: {  	_ =	swait.ge [sflag:s31], $0x1000  }
0x3d: {  	[sflag:s31] =	ssyncset.done $0x0  }
0x3e: {  	s9 =	rddreg [dreg:$0x8];
	[sflag:s31] =	ssyncadd.s32 $0xFFFFF000  }
0x3f: {  	[spmem:s9] =	stream.linear.scatter [tilespmem:s30], [sflag:$0x2], $0x1000, $0x38;
	v63 =	vld [tilespmem:$0x0]  }
0x40: {  	_ =	swait.ge [sflag:s31], $0x1000  }
0x41: {  	[sflag:s31] =	ssyncset.done $0x0  }
0x42: {  	[sflag:s31] =	ssyncadd.s32 $0xFFFFF000  }
0x43: {  	[spmem:s11] =	stream.linear.scatter [tilespmem:s30], [sflag:$0x2], $0x1000, $0x38;
	v63 =	vld [tilespmem:$0x0]  }
0x44: {  	_ =	swait.ge [sflag:s31], $0x1000  }
0x45: {  	[sflag:s31] =	ssyncset.done $0x0  }
0x46: {  	[sflag:s31] =	ssyncadd.s32 $0xFFFFF000  }
0x47: {  	[spmem:s12] =	stream.linear.scatter [tilespmem:s30], [sflag:$0x2], $0x1000, $0x38;
	v63 =	vld [tilespmem:$0x0]  }
0x48: {  	_ =	swait.ge [sflag:s31], $0x1000  }
0x49: {  	[sflag:s31] =	ssyncset.done $0x0  }
0x4a: {  	[sflag:s31] =	ssyncadd.s32 $0xFFFFF000  }
0x4b: {  	[spmem:s13] =	stream.linear.scatter [tilespmem:s30], [sflag:$0x2], $0x1000, $0x38;
	v63 =	vld [tilespmem:$0x0]  }
0x4c: {  	_ =	swait.ge [sflag:s31], $0x1000  }
0x4d: {  	[sflag:s31] =	ssyncset.done $0x0  }
0x4e: {  	[sflag:s31] =	ssyncadd.s32 $0xFFFFF000  }
0x4f: {  	[spmem:s14] =	stream.linear.scatter [tilespmem:s30], [sflag:$0x2], $0x1000, $0x38;
	v63 =	vld [tilespmem:$0x0]  }
0x50: {  	_ =	swait.ge [sflag:s31], $0x1000  }
0x51: {  	[sflag:s31] =	ssyncset.done $0x0  }
0x52: {  	[sflag:s31] =	ssyncadd.s32 $0xFFFFF000  }
0x53: {  	[spmem:s15] =	stream.linear.scatter [tilespmem:s30], [sflag:$0x2], $0x1000, $0x38;
	v63 =	vld [tilespmem:$0x0]  }
0x54: {  	_ =	swait.ge [sflag:s31], $0x1000  }
0x55: {  	[sflag:s31] =	ssyncset.done $0x0  }
0x56: {  	[sflag:s31] =	ssyncadd.s32 $0xFFFFF000  }
0x57: {  	[spmem:s16] =	stream.linear.scatter [tilespmem:s30], [sflag:$0x2], $0x1000, $0x38;
	v63 =	vld [tilespmem:$0x0]  }
0x58: {  	_ =	swait.ge [sflag:s31], $0x1000  }
0x59: {  	[sflag:s31] =	ssyncset.done $0x0  }
0x5a: {  	[sflag:s31] =	ssyncadd.s32 $0xFFFFF000  }
0x5b: {  	[spmem:s17] =	stream.linear.scatter [tilespmem:s30], [sflag:$0x2], $0x1000, $0x38;
	v63 =	vld [tilespmem:$0x0]  }
0x5c: {  	_ =	swait.ge [sflag:s31], $0x1000  }
0x5d: {  	[sflag:s31] =	ssyncset.done $0x0  }
0x5e: {  	[sflag:s31] =	ssyncadd.s32 $0xFFFFF000  }
0x5f: {  	[spmem:s18] =	stream.linear.scatter [tilespmem:s30], [sflag:$0x2], $0x1000, $0x38;
	v63 =	vld [tilespmem:$0x0]  }
0x60: {  	_ =	swait.ge [sflag:s31], $0x1000  }
0x61: {  	[sflag:s31] =	ssyncset.done $0x0  }
0x62: {  	[sflag:s31] =	ssyncadd.s32 $0xFFFFF000  }
0x63: {  	[spmem:s19] =	stream.linear.scatter [tilespmem:s30], [sflag:$0x2], $0x1000, $0x38;
	v63 =	vld [tilespmem:$0x0]  }
0x64: {  	_ =	swait.ge [sflag:s31], $0x1000  }
0x65: {  	[sflag:s31] =	ssyncset.done $0x0  }
0x66: {  	[sflag:s31] =	ssyncadd.s32 $0xFFFFF000  }
0x67: {  	[spmem:s20] =	stream.linear.scatter [tilespmem:s30], [sflag:$0x2], $0x1000, $0x38;
	v63 =	vld [tilespmem:$0x0]  }
0x68: {  	_ =	swait.ge [sflag:s31], $0x1000  }
0x69: {  	[sflag:s31] =	ssyncset.done $0x0  }
0x6a: {  	[sflag:s31] =	ssyncadd.s32 $0xFFFFF000  }
0x6b: {  	[spmem:s21] =	stream.linear.scatter [tilespmem:s30], [sflag:$0x2], $0x1000, $0x38;
	v63 =	vld [tilespmem:$0x0]  }
0x6c: {  	_ =	swait.ge [sflag:s31], $0x1000  }
0x6d: {  	[sflag:s31] =	ssyncset.done $0x0  }
0x6e: {  	[sflag:s31] =	ssyncadd.s32 $0xFFFFF000  }
0x6f: {  	[spmem:s22] =	stream.linear.scatter [tilespmem:s30], [sflag:$0x2], $0x1000, $0x38;
	v63 =	vld [tilespmem:$0x0]  }
0x70: {  	_ =	swait.ge [sflag:s31], $0x1000  }
0x71: {  	[sflag:s31] =	ssyncset.done $0x0  }
0x72: {  	[sflag:s31] =	ssyncadd.s32 $0xFFFFF000  }
0x73: {  	[spmem:s23] =	stream.linear.scatter [tilespmem:s30], [sflag:$0x2], $0x1000, $0x38;
	v63 =	vld [tilespmem:$0x0]  }
0x74: {  	_ =	swait.ge [sflag:s31], $0x1000  }
0x75: {  	[sflag:s31] =	ssyncset.done $0x0  }
0x76: {  	[sflag:s31] =	ssyncadd.s32 $0xFFFFF000  }
0x77: {  	[spmem:s24] =	stream.linear.scatter [tilespmem:s30], [sflag:$0x2], $0x1000, $0x38;
	v63 =	vld [tilespmem:$0x0]  }
0x78: {  	_ =	swait.ge [sflag:s31], $0x1000  }
0x79: {  	[sflag:s31] =	ssyncset.done $0x0  }
0x7a: {  	[sflag:s31] =	ssyncadd.s32 $0xFFFFF000  }
0x7b: {  	[spmem:s25] =	stream.linear.scatter [tilespmem:s30], [sflag:$0x2], $0x1000, $0x38;
	v63 =	vld [tilespmem:$0x0]  }
0x7c: {  	_ =	swait.ge [sflag:s31], $0x1000  }
0x7d: {  	[sflag:s31] =	ssyncset.done $0x0  }
0x7e: {  	[sflag:s31] =	ssyncadd.s32 $0xFFFFF000  }
0x7f: {  	[spmem:s26] =	stream.linear.scatter [tilespmem:s30], [sflag:$0x2], $0x1000, $0x38;
	v63 =	vld [tilespmem:$0x0]  }
0x80: {  	_ =	swait.ge [sflag:s31], $0x1000  }
0x81: {  	[sflag:s31] =	ssyncset.done $0x0  }
0x82: {  	[sflag:s31] =	ssyncadd.s32 $0xFFFFF000  }
0x83: {  	[spmem:s28] =	stream.linear.scatter [tilespmem:s30], [sflag:$0x2], $0x1000, $0x38;
	v63 =	vld [tilespmem:$0x0]  }
0x84: {  	_ =	swait.ge [sflag:s31], $0x1000  }
0x85: {  	[sflag:s31] =	ssyncset.done $0x0  }
0x86: {  	[sflag:s31] =	ssyncadd.s32 $0xFFFFF000  }
0x87: {  	[spmem:s29] =	stream.linear.scatter [tilespmem:s30], [sflag:$0x2], $0x1000, $0x38;
	v63 =	vld [tilespmem:$0x0]  }
0x88: {  	_ =	swait.ge [sflag:s31], $0x1000  }
0x89: {  	[sflag:s31] =	ssyncset.done $0x0  }
0x8a: {  	[sflag:s31] =	ssyncadd.s32 $0xFFFFF000  }
0x8b: {  	[bflag:$0x0] =	sbarrier.arrive $0xFFFF  }
0x8c: {  	s7 =	simm.s32 $0x0;
	s8 =	rddreg [dreg:$0x4]  }
0x8d: {  	[tilespmem:s7], [sflag:$0x2] =	stream.linear.gather [hbm4b:s8+s7], $0x3800, $0x38;
	v63 =	vld [tilespmem:$0x0]  }
0x8e: {  	_ =	swait.ge [sflag:s31], $0x3800  }
0x8f: {  	s9 =	simm.s32 $0x3800;
	[sflag:s31] =	ssyncset.done $0x0  }
.Ltmp3:
0x90: {  	s10 =	rddreg [dreg:$0x5];
	[sflag:s31] =	ssyncadd.s32 $0xFFFFC800;
	(pc) =	sbr.rel @!p0 .LBB2_7-.Ltmp3, $4  }
0x91: {  	[tilespmem:s9], [sflag:$0x2] =	stream.linear.gather [hbm4b:s10+s7], $0x3800, $0x38;
	v63 =	vld [tilespmem:$0x0]  }
0x92: {  	_ =	swait.ge [sflag:s31], $0x3800  }
0x93: {  	[sflag:s31] =	ssyncset.done $0x0  }
0x94: {  	s7 =	simm.s32 $0x0;
	[sflag:s31] =	ssyncadd.s32 $0xFFFFC800  }
0x95: {  	[tilespmem:s2], [sflag:$0x1] =	stream.indirect.gather [hbm4b:s1+s0], $0x80, s7, s0, $0xb8;
	v63 =	vld [tilespmem:$0x0]  }
0x96: {  	_ =	swait.ge [sflag:s6], $0x4000  }
0x97: {  	[sflag:s6] =	ssyncset.done $0x0  }
0x98: {  	s10 =	simm.s32 $0x3800;
	[sflag:s6] =	ssyncadd.s32 $0xFFFFC000  }
0x99: {  	[spmem:s3] =	stream.indirect.scatter.add.f32 [tilespmem:s2], [sflag:$0x2], $0x80, s10, s0, $0xb8;
	v63 =	vld [tilespmem:$0x0]  }
0x9a: {  	_ =	swait.ge [sflag:s31], $0x4000  }
0x9b: {  	s7 =	simm.s32 $0x200;
	s8 =	simm.s32 $0x400;
	[sflag:s31] =	ssyncset.done $0x0  }
.LBB2_5:
0x9c: {  	s9 =	sshra.s32 s7, $0x2  }
0x9d: {  	[sflag:s31] =	ssyncadd.s32 $0xFFFFC000;
	s7 =	smov.u32 s8;
	s10 =	sadd.s32 $0x200, s8  }
0x9e: {  	[tilespmem:s2], [sflag:$0x1] =	stream.indirect.gather [hbm4b:s1+s0], $0x80, s9, s0, $0xb8;
	v63 =	vld [tilespmem:$0x0]  }
0x9f: {  	p1 =	seq.s32 s8, $0xDE00;
	_ =	swait.ge [sflag:s6], $0x4000  }
.Ltmp4:
0xa0: {  	[sflag:s6] =	ssyncset.done $0x0;
	(pc) =	sbr.rel @!p1 .LBB2_5-.Ltmp4, $4  }
0xa1: {  	s8 =	sadd.s32 $0x3800, s9;
	[sflag:s6] =	ssyncadd.s32 $0xFFFFC000  }
0xa2: {  	[spmem:s3] =	stream.indirect.scatter.add.f32 [tilespmem:s2], [sflag:$0x2], $0x80, s8, s0, $0xb8;
	v63 =	vld [tilespmem:$0x0]  }
0xa3: {  	_ =	swait.ge [sflag:s31], $0x4000  }
0xa4: {  	s8 =	smov.u32 s10;
	[sflag:s31] =	ssyncset.done $0x0  }
0xa5: {  	s7 =	sshra.s32 s7, $0x2;
	[sflag:s31] =	ssyncadd.s32 $0xFFFFC000  }
0xa6: {  	[tilespmem:s2], [sflag:$0x1] =	stream.indirect.gather [hbm4b:s1+s0], $0x80, s7, s0, $0xb8;
	v63 =	vld [tilespmem:$0x0]  }
0xa7: {  	_ =	swait.ge [sflag:s6], $0x4000  }
0xa8: {  	[sflag:s6] =	ssyncset.done $0x0  }
.Ltmp5:
0xa9: {  	s7 =	sadd.s32 $0x3800, s7;
	[sflag:s6] =	ssyncadd.s32 $0xFFFFC000;
	(pc) =	sbr.rel .LBB2_10-.Ltmp5, $4  }
0xaa: {  	[spmem:s3] =	stream.indirect.scatter.add.f32 [tilespmem:s2], [sflag:$0x2], $0x80, s7, s0, $0xb8;
	v63 =	vld [tilespmem:$0x0]  }
0xab: {  	_ =	swait.ge [sflag:s31], $0x4000  }
0xac: {  	[sflag:s31] =	ssyncset.done $0x0  }
0xad: {  	[sflag:s31] =	ssyncadd.s32 $0xFFFFC000  }
.LBB2_7:
0xae: {  	[tilespmem:s2], [sflag:$0x1] =	stream.indirect.gather [hbm4b:s1+s0], $0x80, s7, s0, $0xb8;
	v63 =	vld [tilespmem:$0x0]  }
0xaf: {  	_ =	swait.ge [sflag:s6], $0x4000  }
0xb0: {  	[sflag:s6] =	ssyncset.done $0x0  }
0xb1: {  	s10 =	simm.s32 $0x3800;
	[sflag:s6] =	ssyncadd.s32 $0xFFFFC000  }
0xb2: {  	[spmem:s3] =	stream.indirect.scatter.add.f32 [tilespmem:s2], [sflag:$0x2], $0x80, s10, s0, $0xb8;
	v63 =	vld [tilespmem:$0x0]  }
0xb3: {  	_ =	swait.ge [sflag:s31], $0x4000  }
0xb4: {  	s7 =	simm.s32 $0x200;
	s8 =	simm.s32 $0x400;
	[sflag:s31] =	ssyncset.done $0x0  }
.LBB2_8:
0xb5: {  	s9 =	sshra.s32 s7, $0x2  }
0xb6: {  	[sflag:s31] =	ssyncadd.s32 $0xFFFFC000;
	s7 =	smov.u32 s8;
	s10 =	sadd.s32 $0x200, s8  }
0xb7: {  	[tilespmem:s2], [sflag:$0x1] =	stream.indirect.gather [hbm4b:s1+s0], $0x80, s9, s0, $0xb8;
	v63 =	vld [tilespmem:$0x0]  }
0xb8: {  	p1 =	sne.s32 s8, $0x5A00;
	_ =	swait.ge [sflag:s6], $0x4000  }
.Ltmp6:
0xb9: {  	[sflag:s6] =	ssyncset.done $0x0;
	(pc) =	sbr.rel @p1 .LBB2_8-.Ltmp6, $4  }
0xba: {  	s8 =	sadd.s32 $0x3800, s9;
	[sflag:s6] =	ssyncadd.s32 $0xFFFFC000  }
0xbb: {  	[spmem:s3] =	stream.indirect.scatter.add.f32 [tilespmem:s2], [sflag:$0x2], $0x80, s8, s0, $0xb8;
	v63 =	vld [tilespmem:$0x0]  }
0xbc: {  	_ =	swait.ge [sflag:s31], $0x4000  }
0xbd: {  	s8 =	smov.u32 s10;
	[sflag:s31] =	ssyncset.done $0x0  }
.Ltmp7:
0xbe: {  	_ = 	snop;
	(pc) =	sbr.rel .LBB2_9-.Ltmp7, $1  }
0xbf: {  	_ =	sdelay $0x3  }
.LBB2_11:
0xc0: {  	_ =	sfence.sel $0x180000  }
0xc1: {  	[bflag:$0x0] =	sbarrier.arrive $0xFFFF  }
0xc2: {  	_ =	strace $0x9000004A  }
0xc3: {  	s0 =	stileid.u32;
	[bflag:$0x2] =	sbarrier.arrive $0xFFFF  }
0xc4: {  	p0 =	sne.s32 s0, $0x0;
	s0 =	rddreg [dreg:$0x3]  }
0xc5: {  	s0 =	sadd.s32 @!p0 $0x100000, s0  }
0xc6: {  	[sflag:s0] =	ssyncadd.tile.s32 @!p0 $0x1;
	_ =	shalt  }
.Lfunc_end2:
_tile_overlayer_lowered:
.L_overlay_start_2:
0xc7: {  	(tag) =	ssettag $0x2  }
0xc8: {  	s0 =	rddreg [dreg:$0x0];
	s2 =	stileid.u32  }
0xc9: {  	s1 =	rddreg [dreg:$0x1];
	p0 =	sne.s32 s2, $0x0  }
0xca: {  	s3 =	rddreg [dreg:$0x2];
	[bflag:$0x3] =	sbarrier.arrive $0xFFFF;
	s2 =	simm.s32 @!p0 $0x1C02  }
0xcb: {  	[timem:s3], [sflag:s2] =	dma.local @!p0 [hbm:s0], s1  }
0xcc: {  	s0 =	simm.s32 @!p0 $0x2  }
0xcd: {  	_ =	swait.ge @!p0 [sflag:s0], s1  }
0xce: {  	s1 =	ssub.s32 @!p0 $0x0, s1;
	[sflag:s0] =	ssyncset.done @!p0 $0x0  }
0xcf: {  	[sflag:s0] =	ssyncadd.s32 @!p0 s1  }
0xd0: {  	[bflag:$0x3] =	sbarrier.arrive $0xFFFF  }
0xd1: {  	_ =	shalt  }

// kernel: kernel.7.cloned.1.call-start
scs
__scs_entry_jumppad:
0x0: {  	(pc) =	sbr.rel $0x88, $3  }
0x1: {  	(tag) =	ssettag $0x0;
	lr =	simm.s32 $0x1  }
0x2: {  	[smem:$0x3F9A] =	sst lr;
	_ =	strace $0xD0000000  }
0x3: {  	_ = 	snop  }
0x4: {  	_ = 	snop  }
0x5: {  	_ = 	snop  }
0x6: {  	_ = 	snop  }
0x7: {  	_ = 	snop  }
__scs_overlays_trampoline_lowered:
0x8: {  	[smem:$0x3FA9] =	sst s0  }
0x9: {  	[smem:$0x3FAA] =	sst s1  }
0xa: {  	[smem:$0x3FAB] =	sst s2  }
0xb: {  	[smem:$0x3FAC] =	sst s3  }
0xc: {  	[smem:$0x3FAD] =	sst s4  }
0xd: {  	[smem:$0x3FAE] =	sst s5  }
0xe: {  	[smem:$0x3FAF] =	sst s6  }
0xf: {  	[smem:$0x3FB0] =	sst s7  }
0x10: {  	[smem:$0x3FB1] =	sst s8  }
0x11: {  	[smem:$0x3FB2] =	sst s9;
	s0 =	simm.s32 @!p0 $0x0  }
0x12: {  	s1 =	sld [smem:$0x3F98];
	s0 =	simm.s32 @p0 $0x1  }
0x13: {  	[smem:$0x3FB3] =	sst s0;
	s0 =	simm.s32 @!p1 $0x0  }
0x14: {  	s2 =	sld [smem:$0x3F97];
	s0 =	simm.s32 @p1 $0x1  }
0x15: {  	[smem:$0x3FB4] =	sst s0;
	s0 =	simm.s32 @!p2 $0x0  }
0x16: {  	s3 =	sld [smem:$0x3FDB];
	s0 =	simm.s32 @p2 $0x1  }
0x17: {  	s4 =	simm.s32 $0x1BF5;
	[smem:$0x3FB6] =	sst s0  }
0x18: {  	s0 =	sld [smem:$0x3F99];
	_ =	swait.ge [sflag:s4], $0x0  }
0x19: {  	s7 =	sld [smem:$0x3F9A]  }
0x1a: {  	s8 =	sadd.s32 $0xFFFFE003, lr  }
0x1b: {  	s9 =	sadd.s32 $0xFFFFFEF7, lr;
	s5 =	simm.s32 $0xFFFFFFFF;
	p2 =	slt.u32 s8, $0xFFFFF086  }
0x1c: {  	p1 =	slt.u32 s9, $0xF7A;
	s5 =	simm.s32 @!p2 $0x0  }
0x1d: {  	s5 =	simm.s32 @p1 $0x1;
	p0 =	seq.s32 s7, s2  }
0x1e: {  	s7 =	smul.u32 @!p0 $0xF7A, s2;
	p2 =	seq.s32 @!p0 s5, $0x0  }
0x1f: {  	s9 =	smul.u32 $0xF7A, s1;
	s8 =	simm.s32 @!p0 $0x1BF5;
	p2 =	por !p2, p0  }
0x20: {  	[sflag:s8] =	ssyncset.s32 @!p0 $0xFFFFF086;
	s6 =	sadd.s32 @!p0 s3, s7;
	s7 =	simm.s32 @!p0 $0x108  }
0x21: {  	s3 =	sadd.s32 s3, s9;
	s6 =	sadd.s32 @!p0 $0x88, s6;
	s7 =	simm.s32 @p2 $0x1082  }
0x22: {  	[simem:s7], [sflag:s8] =	dma.local @!p0 [hbm:s6], $0xF7A  }
0x23: {  	s9 =	sor.u32 $0xD0000000, s2;
	s6 =	simm.s32 $0x108;
	_ =	swait.ge @!p0 [sflag:s8], $0x0  }
0x24: {  	s3 =	sadd.s32 $0x88, s3;
	s6 =	simm.s32 @!p1 $0x1082;
	[sflag:s4] =	ssyncset.s32 $0xFFFFF086  }
0x25: {  	[simem:s6], [sflag:s4] =	dma.local [hbm:s3], $0xF7A  }
0x26: {  	[smem:$0x3F9A] =	sst s1;
	(tag) =	ssettag s2;
	_ =	strace s9  }
0x27: {  	s1 =	sld [smem:$0x3FAA]  }
0x28: {  	s2 =	sld [smem:$0x3FAB]  }
0x29: {  	s4 =	sld [smem:$0x3FAD]  }
0x2a: {  	p0 =	seq.s32 s5, $0x0;
	s5 =	sld [smem:$0x3FAE]  }
0x2b: {  	s6 =	sld [smem:$0x3FAF]  }
0x2c: {  	s7 =	sld [smem:$0x3FB0]  }
0x2d: {  	s3 =	simm.s32 $0x108;
	s8 =	sld [smem:$0x3FB1]  }
0x2e: {  	s3 =	simm.s32 @!p0 $0x1082;
	s9 =	sld [smem:$0x3FB2]  }
0x2f: {  	lr =	sadd.s32 s0, s3;
	s0 =	sld [smem:$0x3FA9]  }
0x30: {  	s3 =	sld [smem:$0x3FAC]  }
0x31: {  	[smem:$0x3FB5] =	sst s10  }
0x32: {  	s10 =	sld [smem:$0x3FB3];
	_ =	sdelay $0x3  }
0x33: {  	p0 =	seq.s32 s10, $0x1;
	s10 =	sld [smem:$0x3FB5];
	_ =	sdelay $0x3  }
0x34: {  	[smem:$0x3FB5] =	sst s10  }
0x35: {  	s10 =	sld [smem:$0x3FB4];
	_ =	sdelay $0x3  }
0x36: {  	p1 =	seq.s32 s10, $0x1;
	s10 =	sld [smem:$0x3FB5];
	_ =	sdelay $0x3  }
0x37: {  	[smem:$0x3FB5] =	sst s10  }
0x38: {  	s10 =	sld [smem:$0x3FB6]  }
0x39: {  	_ = 	snop;
	(pc) =	sbr.ind lr, $3  }
0x3a: {  	_ = 	snop  }
0x3b: {  	_ = 	snop  }
0x3c: {  	p2 =	seq.s32 s10, $0x1;
	s10 =	sld [smem:$0x3FB5]  }
0x3d: {  	_ =	shalt  }
0x3e: {  	_ =	shalt  }
0x3f: {  	_ =	shalt  }
0x40: {  	_ =	shalt  }
0x41: {  	_ =	shalt  }
0x42: {  	_ =	shalt  }
0x43: {  	_ =	shalt  }
0x44: {  	_ =	shalt  }
0x45: {  	_ =	shalt  }
0x46: {  	_ =	shalt  }
0x47: {  	_ =	shalt  }
0x48: {  	_ =	shalt  }
0x49: {  	_ =	shalt  }
0x4a: {  	_ =	shalt  }
0x4b: {  	_ =	shalt  }
0x4c: {  	_ =	shalt  }
0x4d: {  	_ =	shalt  }
0x4e: {  	_ =	shalt  }
0x4f: {  	_ =	shalt  }
0x50: {  	_ =	shalt  }
0x51: {  	_ =	shalt  }
0x52: {  	_ =	shalt  }
0x53: {  	_ =	shalt  }
0x54: {  	_ =	shalt  }
0x55: {  	_ =	shalt  }
0x56: {  	_ =	shalt  }
0x57: {  	_ =	shalt  }
0x58: {  	_ =	shalt  }
0x59: {  	_ =	shalt  }
0x5a: {  	_ =	shalt  }
0x5b: {  	_ =	shalt  }
0x5c: {  	_ =	shalt  }
0x5d: {  	_ =	shalt  }
0x5e: {  	_ =	shalt  }
0x5f: {  	_ =	shalt  }
0x60: {  	_ =	shalt  }
0x61: {  	_ =	shalt  }
0x62: {  	_ =	shalt  }
0x63: {  	_ =	shalt  }
0x64: {  	_ =	shalt  }
0x65: {  	_ =	shalt  }
0x66: {  	_ =	shalt  }
0x67: {  	_ =	shalt  }
0x68: {  	_ =	shalt  }
0x69: {  	_ =	shalt  }
0x6a: {  	_ =	shalt  }
0x6b: {  	_ =	shalt  }
0x6c: {  	_ =	shalt  }
0x6d: {  	_ =	shalt  }
0x6e: {  	_ =	shalt  }
0x6f: {  	_ =	shalt  }
0x70: {  	_ =	shalt  }
0x71: {  	_ =	shalt  }
0x72: {  	_ =	shalt  }
0x73: {  	_ =	shalt  }
0x74: {  	_ =	shalt  }
0x75: {  	_ =	shalt  }
0x76: {  	_ =	shalt  }
0x77: {  	_ =	shalt  }
0x78: {  	_ =	shalt  }
0x79: {  	_ =	shalt  }
0x7a: {  	_ =	shalt  }
0x7b: {  	_ =	shalt  }
0x7c: {  	_ =	shalt  }
0x7d: {  	_ =	shalt  }
0x7e: {  	_ =	shalt  }
0x7f: {  	_ =	shalt  }
0x80: {  	_ =	shalt  }
0x81: {  	_ =	shalt  }
0x82: {  	_ =	shalt  }
0x83: {  	_ =	shalt  }
0x84: {  	_ =	shalt  }
0x85: {  	_ =	shalt  }
0x86: {  	_ =	shalt  }
0x87: {  	_ =	shalt  }
.Lfunc_end0:
.L_simem_size_0:
called_computation_lowered:
.L_overlay_start_0:
0x88: {  	s2 =	sld [smem:$0x3FD9]  }
0x89: {  	s3 =	sld [smem:$0x3FFE];
	_ =	sdelay $0x1  }
0x8a: {  	s1 =	srdreg.scid  }
0x8b: {  	s0 =	sand.u32 $0x1, s1  }
0x8c: {  	s17 =	sshll.u32 s0, $0xA;
	s2 =	sadd.s32 s3, s2  }
0x8d: {  	s2 =	sadd.s32 s2, s17  }
0x8e: {  	[smem:$0x3FC1] =	sst s2  }
0x8f: {  	_ = 	snop  }
0x90: {  	s2 =	sld [smem:$0x3FD0];
	(tm) =	ssettm $0x1  }
0x91: {  	s18 =	sld [smem:$0x3FFB];
	_ =	sdelay $0x3  }
0x92: {  	_ =	strace s18  }
0x93: {  	s3 =	sld [smem:$0x3FFC];
	_ =	sdelay $0x3  }
0x94: {  	_ =	strace s3  }
0x95: {  	s3 =	sld [smem:$0x3FFD];
	_ =	sdelay $0x3  }
0x96: {  	_ =	strace s3  }
0x97: {  	_ =	strace $0x8FFFFFFF  }
0x98: {  	s19 =	sld [smem:$0x3FDB];
	_ =	sdelay $0x1  }
0x99: {  	s4 =	simm.s32 $_scs_section_size  }
0x9a: {  	s5 =	simm.s32 $_size__tile_overlayer_lowered;
	s6 =	simm.s32 $_tile_overlayer_lowered  }
0x9b: {  	s22 =	simm.s32 $0x1BFF;
	s21 =	sshll.u32 s6, $0x1;
	s3 =	sadd.s32 s4, s19  }
0x9c: {  	s7 =	simm.s32 $0x0;
	s20 =	sshll.u32 s5, $0x1;
	s5 =	sadd.s32 s21, s3  }
0x9d: {  	[timem:s7], [sflag:s22] =	dma.local [hbm:s5], s20  }
0x9e: {  	_ =	swait.ge [sflag:s22], s20  }
0x9f: {  	s4 =	ssub.s32 $0x0, s20;
	[sflag:s22] =	ssyncset.done $0x0  }
0xa0: {  	[sflag:s22] =	ssyncadd.s32 s4;
	_ =	sdelay $0x1  }
0xa1: {  	s23 =	simm.s32 $0x1B8B  }
0xa2: {  	_ =	swait.ge [sflag:s23], $0x1  }
0xa3: {  	[sflag:s23] =	ssyncset.done $0x0  }
0xa4: {  	s25 =	simm.s32 $0x1B8E;
	s24 =	sld [smem:$0x3FFE];
	[sflag:s23] =	ssyncadd.s32 $0xFFFFFFFF  }
0xa5: {  	s26 =	simm.s32 $execute0_lowered;
	[smem:$0x3FD2] =	sst s25  }
0xa6: {  	s5 =	sshll.u32 s26, $0x1;
	_ =	strace $0x80000046;
	[dreg:$0x1] =	wrdreg $0xFFFFFFFF  }
0xa7: {  	s28 =	simm.s32 $_size_execute0_lowered;
	s3 =	sadd.s32 s3, s5;
	[dreg:$0x0] =	wrdreg $0x0  }
0xa8: {  	s5 =	sshll.u32 s28, $0x1;
	[dreg:$0x2] =	wrdreg s3  }
0xa9: {  	[dreg:$0x3] =	wrdreg s5  }
0xaa: {  	[dreg:$0x4] =	wrdreg $0xC0  }
0xab: {  	_ =	task [dreg:s7], $0x5FFFF  }
0xac: {  	[dreg:$0x1] =	wrdreg $0xFFFFFFFF  }
0xad: {  	[dreg:$0x0] =	wrdreg $0x60  }
0xae: {  	[dreg:$0x2] =	wrdreg s2  }
0xaf: {  	[dreg:$0x3] =	wrdreg s24  }
0xb0: {  	[dreg:$0x4] =	wrdreg $0xC0000  }
0xb1: {  	[dreg:$0x5] =	wrdreg $0x9  }
0xb2: {  	_ =	task.clear_ibuf [dreg:s7], $0x6FFFF;
	_ =	strace $0x90000046  }
0xb3: {  	s29 =	simm.s32 $0x9;
	_ =	strace $0x80000048  }
0xb4: {  	_ =	swait.ge [sflag:s29], $0x1  }
0xb5: {  	[sflag:s29] =	ssyncadd.s32 $0xFFFFFFFF  }
0xb6: {  	_ =	strace $0x90000048  }
0xb7: {  	_ =	sfence  }
0xb8: {  	s30 =	sld [smem:$0x0];
	_ =	sdelay $0x2  }
0xb9: {  	s31 =	sshll.u32 s1, $0xD;
	s1 =	sshrl.u32 s1, $0x2  }
0xba: {  	s3 =	sand.u32 $0x4000, s31;
	s1 =	sadd.s32 s1, s30  }
0xbb: {  	s0 =	sor.u32 s3, s0;
	s1 =	sshll.u32 s1, $0x11  }
0xbc: {  	s0 =	sor.u32 s1, s0  }
0xbd: {  	s0 =	sadd.s32 $0x8F2B, s0  }
0xbe: {  	[sflag:s0] =	ssyncadd.remote.s32 $0x1  }
0xbf: {  	_ =	sfence.sel $0xFFFF  }
0xc0: {  	[dreg:$0x0] =	wrdreg $0xFFFFFFFF;
	(pc) =	sbr.abs _section_cstart, $3  }
0xc1: {  	[dreg:$0x1] =	wrdreg $0xFFFFFFFF  }
0xc2: {  	_ =	task.clear_ibuf [dreg:s7], $0x2FFFF;
	_ =	strace $0x9FFFFFFF  }
0xc3: {  	(tm) =	ssettm $0x7FFFFFFF  }
tec
execute0_lowered:
.L_overlay_start_1:
0x0: {  	(tag) =	ssettag $0x1  }
0x1: {  	s1 =	rddreg [dreg:$0x0]  }
0x2: {  	s5 =	rddreg [dreg:$0x1]  }
0x3: {  	s3 =	rddreg [dreg:$0x2];
	s4 =	srdreg.scid  }
0x4: {  	s0 =	rddreg [dreg:$0x3];
	s2 =	stileid.u32;
	s19 =	simm.s32 $0xB000  }
0x5: {  	s20 =	simm.s32 $0x2;
	s21 =	simm.s32 $0x3800;
	s22 =	simm.s32 $0x80  }
0x6: {  	s23 =	simm.s32 $0x7000;
	s24 =	simm.s32 $0x1;
	s9 =	smul.u32 $0xA000, s2  }
0x7: {  	s8 =	sand.u32 $0x1, s4;
	s4 =	simm.s32 $0x0;
	s10 =	smul.u32 $0x28000, s2  }
0x8: {  	s6 =	sshll.u32 s2, $0x1;
	s7 =	smul.u32 $0xA0000, s8;
	[smem:$0x7FF] =	sst s4  }
0x9: {  	s6 =	sor.u32 s8, s6;
	s28 =	ssub.s32 $0x2, s8;
	p0 =	seq.s32 s8, $0x1  }
0xa: {  	_ =	strace $0x80000047;
	s6 =	smul.u32 $0x700, s6;
	s30 =	sshrl.u32 s28, $0x1  }
0xb: {  	s31 =	sshrl.u32 s10, $0x2;
	s7 =	sadd.s32 s9, s7;
	s9 =	ssub.s32 s28, s30  }
0xc: {  	s11 =	sadd.s32 s6, s5;
	s29 =	sshrl.u32 s7, $0x3;
	s9 =	smax.u32 s9, $0x1  }
.Ltmp0:
0xd: {  	s12 =	sadd.s32 s29, s5;
	s5 =	sadd.s32 s31, s3;
	(pc) =	sbr.rel .LBB2_1-.Ltmp0, $4  }
0xe: {  	s6 =	sadd.s32 $0x3600, s11;
	s7 =	sadd.s32 $0x11600, s11;
	s8 =	sadd.s32 $0x1F600, s12  }
0xf: {  	s10 =	sadd.s32 $0x1000, s5;
	s11 =	sadd.s32 $0x2000, s5;
	s12 =	sadd.s32 $0x3000, s5  }
0x10: {  	s13 =	sadd.s32 $0x4000, s5;
	s14 =	sadd.s32 $0x5000, s5;
	s15 =	sadd.s32 $0x6000, s5  }
0x11: {  	v0 =	vimm.f32 $0.0e+00;
	s16 =	sadd.s32 $0x7000, s5;
	s17 =	sadd.s32 $0x8000, s5;
	s18 =	sadd.s32 $0x9000, s5  }
.LBB2_9:
0x12: {  	s25 =	sshra.s32 s25, $0x2;
	[sflag:s20] =	ssyncadd.s32 $0xFFFFC000  }
0x13: {  	[tilespmem:s23], [sflag:$0x1] =	stream.indirect.gather [hbm4b:s1+s22], $0x80, s25, s22, $0xb8;
	[tilespmem:$0x16000] =	vst v63  }
0x14: {  	_ =	swait.ge [sflag:s24], $0x4000  }
0x15: {  	[sflag:s24] =	ssyncset.done $0x0  }
0x16: {  	s25 =	sadd.s32 $0x3800, s25;
	[sflag:s24] =	ssyncadd.s32 $0xFFFFC000  }
0x17: {  	[spmem:s3] =	stream.indirect.scatter.add.f32 [tilespmem:s23], [sflag:$0x2], $0x80, s25, s22, $0xb8;
	[tilespmem:$0x16000] =	vst v63  }
0x18: {  	_ =	swait.ge [sflag:s20], $0x4000  }
0x19: {  	[sflag:s20] =	ssyncset.done $0x0  }
0x1a: {  	[sflag:s20] =	ssyncadd.s32 $0xFFFFC000  }
.LBB2_10:
0x1b: {  	s4 =	sadd.s32 $0x1, s4  }
0x1c: {  	s25 =	sshll.u32 s2, $0x6;
	[bflag:$0x0] =	sbarrier.arrive $0xFFFF;
	p1 =	sne.s32 s4, s9  }
.Ltmp1:
0x1d: {  	s26 =	sshrl.u32 s5, $0x3;
	s25 =	sor.u32 $0x1C02, s25;
	(pc) =	sbr.rel @!p1 .LBB2_11-.Ltmp1, $4  }
0x1e: {  	[hbm:s8], [sflag:s25] =	dma.local [spmem:s26], $0x1400  }
0x1f: {  	_ =	swait.ge [sflag:s20], $0x1400  }
0x20: {  	[sflag:s20] =	ssyncset.done $0x0  }
0x21: {  	[sflag:s20] =	ssyncadd.s32 $0xFFFFEC00  }
.LBB2_1:
0x22: {  	s25 =	simm.s32 $0x0;
	s26 =	simm.s32 $0x200  }
.LBB2_2:
0x23: {  	p1 =	sne.s32 s26, $0x3E00;
	[tilespmem:s25+$0xB070] =	vst v0  }
0x24: {  	[tilespmem:s25+$0xB000] =	vst v0  }
0x25: {  	[tilespmem:s25+$0xB010] =	vst v0  }
.Ltmp2:
0x26: {  	[tilespmem:s25+$0xB020] =	vst v0;
	(pc) =	sbr.rel @p1 .LBB2_2-.Ltmp2, $4  }
0x27: {  	[tilespmem:s25+$0xB030] =	vst v0  }
0x28: {  	[tilespmem:s25+$0xB040] =	vst v0  }
0x29: {  	[tilespmem:s25+$0xB050] =	vst v0  }
0x2a: {  	[tilespmem:s25+$0xB060] =	vst v0;
	s25 =	sshra.s32 s26, $0x2;
	s26 =	sadd.s32 $0x200, s26  }
0x2b: {  	[tilespmem:s25+$0xB070] =	vst v0  }
0x2c: {  	[tilespmem:s25+$0xB000] =	vst v0  }
0x2d: {  	[tilespmem:s25+$0xB010] =	vst v0  }
0x2e: {  	[tilespmem:s25+$0xB020] =	vst v0  }
0x2f: {  	[tilespmem:s25+$0xB030] =	vst v0  }
0x30: {  	[tilespmem:s25+$0xB040] =	vst v0  }
0x31: {  	[tilespmem:s25+$0xB050] =	vst v0  }
0x32: {  	[tilespmem:s25+$0xB060] =	vst v0  }
0x33: {  	[spmem:s5] =	stream.linear.scatter [tilespmem:s19], [sflag:$0x2], $0x1000, $0x38;
	[tilespmem:$0x16000] =	vst v63  }
0x34: {  	_ =	swait.ge [sflag:s20], $0x1000  }
0x35: {  	[sflag:s20] =	ssyncset.done $0x0  }
0x36: {  	[sflag:s20] =	ssyncadd.s32 $0xFFFFF000  }
0x37: {  	[spmem:s10] =	stream.linear.scatter [tilespmem:s19], [sflag:$0x2], $0x1000, $0x38;
	[tilespmem:$0x16000] =	vst v63  }
0x38: {  	_ =	swait.ge [sflag:s20], $0x1000  }
0x39: {  	[sflag:s20] =	ssyncset.done $0x0  }
0x3a: {  	[sflag:s20] =	ssyncadd.s32 $0xFFFFF000  }
0x3b: {  	[spmem:s11] =	stream.linear.scatter [tilespmem:s19], [sflag:$0x2], $0x1000, $0x38;
	[tilespmem:$0x16000] =	vst v63  }
0x3c: {  	_ =	swait.ge [sflag:s20], $0x1000  }
0x3d: {  	[sflag:s20] =	ssyncset.done $0x0  }
0x3e: {  	[sflag:s20] =	ssyncadd.s32 $0xFFFFF000  }
0x3f: {  	[spmem:s12] =	stream.linear.scatter [tilespmem:s19], [sflag:$0x2], $0x1000, $0x38;
	[tilespmem:$0x16000] =	vst v63  }
0x40: {  	_ =	swait.ge [sflag:s20], $0x1000  }
0x41: {  	[sflag:s20] =	ssyncset.done $0x0  }
0x42: {  	[sflag:s20] =	ssyncadd.s32 $0xFFFFF000  }
0x43: {  	[spmem:s13] =	stream.linear.scatter [tilespmem:s19], [sflag:$0x2], $0x1000, $0x38;
	[tilespmem:$0x16000] =	vst v63  }
0x44: {  	_ =	swait.ge [sflag:s20], $0x1000  }
0x45: {  	[sflag:s20] =	ssyncset.done $0x0  }
0x46: {  	[sflag:s20] =	ssyncadd.s32 $0xFFFFF000  }
0x47: {  	[spmem:s14] =	stream.linear.scatter [tilespmem:s19], [sflag:$0x2], $0x1000, $0x38;
	[tilespmem:$0x16000] =	vst v63  }
0x48: {  	_ =	swait.ge [sflag:s20], $0x1000  }
0x49: {  	[sflag:s20] =	ssyncset.done $0x0  }
0x4a: {  	[sflag:s20] =	ssyncadd.s32 $0xFFFFF000  }
0x4b: {  	[spmem:s15] =	stream.linear.scatter [tilespmem:s19], [sflag:$0x2], $0x1000, $0x38;
	[tilespmem:$0x16000] =	vst v63  }
0x4c: {  	_ =	swait.ge [sflag:s20], $0x1000  }
0x4d: {  	[sflag:s20] =	ssyncset.done $0x0  }
0x4e: {  	[sflag:s20] =	ssyncadd.s32 $0xFFFFF000  }
0x4f: {  	[spmem:s16] =	stream.linear.scatter [tilespmem:s19], [sflag:$0x2], $0x1000, $0x38;
	[tilespmem:$0x16000] =	vst v63  }
0x50: {  	_ =	swait.ge [sflag:s20], $0x1000  }
0x51: {  	[sflag:s20] =	ssyncset.done $0x0  }
0x52: {  	[sflag:s20] =	ssyncadd.s32 $0xFFFFF000  }
0x53: {  	[spmem:s17] =	stream.linear.scatter [tilespmem:s19], [sflag:$0x2], $0x1000, $0x38;
	[tilespmem:$0x16000] =	vst v63  }
0x54: {  	_ =	swait.ge [sflag:s20], $0x1000  }
0x55: {  	[sflag:s20] =	ssyncset.done $0x0  }
0x56: {  	[sflag:s20] =	ssyncadd.s32 $0xFFFFF000  }
0x57: {  	[spmem:s18] =	stream.linear.scatter [tilespmem:s19], [sflag:$0x2], $0x1000, $0x38;
	[tilespmem:$0x16000] =	vst v63  }
0x58: {  	_ =	swait.ge [sflag:s20], $0x1000  }
0x59: {  	[sflag:s20] =	ssyncset.done $0x0  }
0x5a: {  	[sflag:s20] =	ssyncadd.s32 $0xFFFFF000  }
0x5b: {  	s31 =	simm.s32 $0x0;
	[bflag:$0x0] =	sbarrier.arrive $0xFFFF  }
0x5c: {  	[tilespmem:s31], [sflag:$0x2] =	stream.linear.gather [hbm4b:s6+s31], $0x3800, $0x38;
	[tilespmem:$0x16000] =	vst v63  }
0x5d: {  	_ =	swait.ge [sflag:s20], $0x3800  }
0x5e: {  	[sflag:s20] =	ssyncset.done $0x0  }
.Ltmp3:
0x5f: {  	[sflag:s20] =	ssyncadd.s32 $0xFFFFC800;
	(pc) =	sbr.rel @!p0 .LBB2_7-.Ltmp3, $4  }
0x60: {  	[tilespmem:s21], [sflag:$0x2] =	stream.linear.gather [hbm4b:s7+s31], $0x3800, $0x38;
	[tilespmem:$0x16000] =	vst v63  }
0x61: {  	_ =	swait.ge [sflag:s20], $0x3800  }
0x62: {  	[sflag:s20] =	ssyncset.done $0x0  }
0x63: {  	s25 =	simm.s32 $0x0;
	[sflag:s20] =	ssyncadd.s32 $0xFFFFC800  }
0x64: {  	[tilespmem:s23], [sflag:$0x1] =	stream.indirect.gather [hbm4b:s1+s22], $0x80, s25, s22, $0xb8;
	[tilespmem:$0x16000] =	vst v63  }
0x65: {  	_ =	swait.ge [sflag:s24], $0x4000  }
0x66: {  	[sflag:s24] =	ssyncset.done $0x0  }
0x67: {  	s31 =	simm.s32 $0x3800;
	[sflag:s24] =	ssyncadd.s32 $0xFFFFC000  }
0x68: {  	[spmem:s3] =	stream.indirect.scatter.add.f32 [tilespmem:s23], [sflag:$0x2], $0x80, s31, s22, $0xb8;
	[tilespmem:$0x16000] =	vst v63  }
0x69: {  	_ =	swait.ge [sflag:s20], $0x4000  }
0x6a: {  	s25 =	simm.s32 $0x200;
	s26 =	simm.s32 $0x400;
	[sflag:s20] =	ssyncset.done $0x0  }
.LBB2_5:
0x6b: {  	s28 =	sshra.s32 s25, $0x2  }
0x6c: {  	[sflag:s20] =	ssyncadd.s32 $0xFFFFC000;
	s25 =	smov.u32 s26;
	s29 =	sadd.s32 $0x200, s26  }
0x6d: {  	[tilespmem:s23], [sflag:$0x1] =	stream.indirect.gather [hbm4b:s1+s22], $0x80, s28, s22, $0xb8;
	[tilespmem:$0x16000] =	vst v63  }
0x6e: {  	p1 =	seq.s32 s26, $0xDE00;
	_ =	swait.ge [sflag:s24], $0x4000  }
.Ltmp4:
0x6f: {  	[sflag:s24] =	ssyncset.done $0x0;
	(pc) =	sbr.rel @!p1 .LBB2_5-.Ltmp4, $4  }
0x70: {  	s26 =	sadd.s32 $0x3800, s28;
	[sflag:s24] =	ssyncadd.s32 $0xFFFFC000  }
0x71: {  	[spmem:s3] =	stream.indirect.scatter.add.f32 [tilespmem:s23], [sflag:$0x2], $0x80, s26, s22, $0xb8;
	[tilespmem:$0x16000] =	vst v63  }
0x72: {  	_ =	swait.ge [sflag:s20], $0x4000  }
0x73: {  	s26 =	smov.u32 s29;
	[sflag:s20] =	ssyncset.done $0x0  }
0x74: {  	s25 =	sshra.s32 s25, $0x2;
	[sflag:s20] =	ssyncadd.s32 $0xFFFFC000  }
0x75: {  	[tilespmem:s23], [sflag:$0x1] =	stream.indirect.gather [hbm4b:s1+s22], $0x80, s25, s22, $0xb8;
	[tilespmem:$0x16000] =	vst v63  }
0x76: {  	_ =	swait.ge [sflag:s24], $0x4000  }
0x77: {  	[sflag:s24] =	ssyncset.done $0x0  }
.Ltmp5:
0x78: {  	s25 =	sadd.s32 $0x3800, s25;
	[sflag:s24] =	ssyncadd.s32 $0xFFFFC000;
	(pc) =	sbr.rel .LBB2_10-.Ltmp5, $4  }
0x79: {  	[spmem:s3] =	stream.indirect.scatter.add.f32 [tilespmem:s23], [sflag:$0x2], $0x80, s25, s22, $0xb8;
	[tilespmem:$0x16000] =	vst v63  }
0x7a: {  	_ =	swait.ge [sflag:s20], $0x4000  }
0x7b: {  	[sflag:s20] =	ssyncset.done $0x0  }
0x7c: {  	[sflag:s20] =	ssyncadd.s32 $0xFFFFC000  }
.LBB2_7:
0x7d: {  	[tilespmem:s23], [sflag:$0x1] =	stream.indirect.gather [hbm4b:s1+s22], $0x80, s25, s22, $0xb8;
	[tilespmem:$0x16000] =	vst v63  }
0x7e: {  	_ =	swait.ge [sflag:s24], $0x4000  }
0x7f: {  	[sflag:s24] =	ssyncset.done $0x0  }
0x80: {  	s31 =	simm.s32 $0x3800;
	[sflag:s24] =	ssyncadd.s32 $0xFFFFC000  }
0x81: {  	[spmem:s3] =	stream.indirect.scatter.add.f32 [tilespmem:s23], [sflag:$0x2], $0x80, s31, s22, $0xb8;
	[tilespmem:$0x16000] =	vst v63  }
0x82: {  	_ =	swait.ge [sflag:s20], $0x4000  }
0x83: {  	s25 =	simm.s32 $0x200;
	s26 =	simm.s32 $0x400;
	[sflag:s20] =	ssyncset.done $0x0  }
.LBB2_8:
0x84: {  	s28 =	sshra.s32 s25, $0x2  }
0x85: {  	[sflag:s20] =	ssyncadd.s32 $0xFFFFC000;
	s25 =	smov.u32 s26;
	s29 =	sadd.s32 $0x200, s26  }
0x86: {  	[tilespmem:s23], [sflag:$0x1] =	stream.indirect.gather [hbm4b:s1+s22], $0x80, s28, s22, $0xb8;
	[tilespmem:$0x16000] =	vst v63  }
0x87: {  	p1 =	sne.s32 s26, $0x5A00;
	_ =	swait.ge [sflag:s24], $0x4000  }
.Ltmp6:
0x88: {  	[sflag:s24] =	ssyncset.done $0x0;
	(pc) =	sbr.rel @p1 .LBB2_8-.Ltmp6, $4  }
0x89: {  	s26 =	sadd.s32 $0x3800, s28;
	[sflag:s24] =	ssyncadd.s32 $0xFFFFC000  }
0x8a: {  	[spmem:s3] =	stream.indirect.scatter.add.f32 [tilespmem:s23], [sflag:$0x2], $0x80, s26, s22, $0xb8;
	[tilespmem:$0x16000] =	vst v63  }
0x8b: {  	_ =	swait.ge [sflag:s20], $0x4000  }
0x8c: {  	s26 =	smov.u32 s29;
	[sflag:s20] =	ssyncset.done $0x0  }
.Ltmp7:
0x8d: {  	_ = 	snop;
	(pc) =	sbr.rel .LBB2_9-.Ltmp7, $1  }
0x8e: {  	_ =	sdelay $0x3  }
.LBB2_11:
0x8f: {  	_ =	sfence.sel $0x180000  }
0x90: {  	[bflag:$0x0] =	sbarrier.arrive $0xFFFF  }
0x91: {  	p0 =	sne.s32 s2, $0x0;
	_ =	strace $0x90000047  }
0x92: {  	s0 =	sadd.s32 @!p0 $0x100000, s0;
	[bflag:$0x2] =	sbarrier.arrive $0xFFFF  }
0x93: {  	[sflag:s0] =	ssyncadd.tile.s32 @!p0 $0x1;
	_ =	shalt  }
.Lfunc_end2:
_tile_overlayer_lowered:
.L_overlay_start_2:
0x94: {  	(tag) =	ssettag $0x2  }
0x95: {  	s0 =	rddreg [dreg:$0x0];
	s2 =	stileid.u32  }
0x96: {  	s1 =	rddreg [dreg:$0x1];
	p0 =	sne.s32 s2, $0x0  }
0x97: {  	s3 =	rddreg [dreg:$0x2];
	[bflag:$0x3] =	sbarrier.arrive $0xFFFF;
	s2 =	simm.s32 @!p0 $0x1C02  }
0x98: {  	[timem:s3], [sflag:s2] =	dma.local @!p0 [hbm:s0], s1  }
0x99: {  	s0 =	simm.s32 @!p0 $0x2  }
0x9a: {  	_ =	swait.ge @!p0 [sflag:s0], s1  }
0x9b: {  	s1 =	ssub.s32 @!p0 $0x0, s1;
	[sflag:s0] =	ssyncset.done @!p0 $0x0  }
0x9c: {  	[sflag:s0] =	ssyncadd.s32 @!p0 s1  }
0x9d: {  	[bflag:$0x3] =	sbarrier.arrive $0xFFFF  }
0x9e: {  	_ =	shalt  }

</sc_bundles>
